<compile_context>
chip_gen: v7x
topology: tpu7x:2x2x1
jax: 0.10.2.dev20260603
libtpu: 0.0.44.dev20260713+nightly
codegen_flags: <defaults>
</compile_context>

<pallas_src>
import jax
import jax.numpy as jnp
from jax import lax
from jax.experimental import pallas as pl
from jax.experimental.pallas import tpu as pltpu
from jax.experimental.pallas import tpu_sc as plsc

N = 10000
E = 320000
C = 128
NW = 32
CPW = C // NW
NPAD = 10240
NT = NPAD + 4
NTW = NT * CPW
CH = 1280
NGR = CH // 16
NCH = E // CH
GPB = 8
NBL = NGR // GPB
ROWB = 1024
NBLK = NPAD // ROWB


def _leaky(x):
    return jnp.where(x >= 0, x, 0.01 * x)


def _tc1_body(h_ref, pos_ref, A1_ref, b1_ref, A2_ref, b2_ref, G3_ref, AH_ref,
              bf_ref, u_ref, v_ref):
    x = h_ref[...]
    p8 = pos_ref[...]
    t1 = _leaky(jnp.dot(x, A1_ref[...], preferred_element_type=jnp.float32)
                + b1_ref[...])
    d8 = jnp.tanh(jnp.dot(t1, A2_ref[...], preferred_element_type=jnp.float32)
                  + b2_ref[...])
    u_ref[...] = (jnp.dot(p8, G3_ref[...], preferred_element_type=jnp.float32)
                  + jnp.dot(x, AH_ref[...], preferred_element_type=jnp.float32)
                  + bf_ref[...])
    v_ref[...] = jnp.dot(d8 - p8, G3_ref[...],
                         preferred_element_type=jnp.float32)


def _tc1(h_p, pos8, A1, b1, A2, b2, G3, AH, bfr):
    full = lambda r, c: pl.BlockSpec((r, c), lambda i: (0, 0))
    return pl.pallas_call(
        _tc1_body,
        grid=(NBLK,),
        in_specs=[pl.BlockSpec((ROWB, C), lambda i: (i, 0)),
                  pl.BlockSpec((ROWB, 8), lambda i: (i, 0)),
                  full(C, C), full(1, C), full(C, 8), full(1, 8),
                  full(8, C), full(C, C), full(1, C)],
        out_specs=[pl.BlockSpec((ROWB, C), lambda i: (i, 0)),
                   pl.BlockSpec((ROWB, C), lambda i: (i, 0))],
        out_shape=[jax.ShapeDtypeStruct((NPAD, C), jnp.float32),
                   jax.ShapeDtypeStruct((NPAD, C), jnp.float32)],
    )(h_p, pos8, A1, b1, A2, b2, G3, AH, bfr)


_PERM_DN = lax.GatherDimensionNumbers(offset_dims=(), collapsed_slice_dims=(0,),
                                      start_index_map=(0,))


def _perm(x, idx):
    return lax.gather(x, idx[:, None], _PERM_DN, slice_sizes=(1,),
                      mode=lax.GatherScatterMode.PROMISE_IN_BOUNDS)


def _or_all(ms):
    while len(ms) > 1:
        ms = [a | b for a, b in zip(ms[::2], ms[1::2])] + (
            [ms[-1]] if len(ms) % 2 else [])
    return ms[0]


def _sc_body(u_t, edge_hbm, flag_hbm, out_hbm, uflat, acc_a, acc_b, eb, fb,
             sems, fsems):
    wid = lax.axis_index("s") * 2 + lax.axis_index("c")

    pltpu.sync_copy(u_t.at[wid], uflat)

    neg = jnp.full((16,), -jnp.inf, jnp.float32)

    def init_acc(i, _):
        acc_a[pl.ds(i * 16, 16)] = neg
        acc_b[pl.ds(i * 16, 16)] = neg
        return 0

    lax.fori_loop(0, NTW // 16, init_acc, 0)

    zi = jnp.zeros((16,), jnp.int32)
    fb[0, pl.ds(NBL - 1, 16)] = zi
    fb[1, pl.ds(NBL - 1, 16)] = zi

    pltpu.make_async_copy(edge_hbm.at[:, pl.ds(0, CH)], eb.at[0],
                          sems.at[0]).start()
    pltpu.make_async_copy(edge_hbm.at[:, pl.ds(CH, CH)], eb.at[1],
                          sems.at[1]).start()
    pltpu.make_async_copy(flag_hbm.at[pl.ds(0, 16)],
                          fb.at[0, pl.ds(0, 16)], fsems.at[0]).start()
    pltpu.make_async_copy(flag_hbm.at[pl.ds(16, 16)],
                          fb.at[1, pl.ds(0, 16)], fsems.at[1]).start()

    def chunk_body(ci, _):
        p = ci % 2
        pltpu.make_async_copy(edge_hbm.at[:, pl.ds(ci * CH, CH)], eb.at[p],
                              sems.at[p]).wait()
        pltpu.make_async_copy(flag_hbm.at[pl.ds(ci * 16, 16)],
                              fb.at[p, pl.ds(0, 16)], fsems.at[p]).wait()

        def blk_body(q, _):
            info = []
            for gg in range(GPB):
                g = q * GPB + gg
                acc = acc_a if gg % 2 == 0 else acc_b
                s16 = eb[p, 0, pl.ds(g * 16, 16)]
                d16 = eb[p, 1, pl.ds(g * 16, 16)]
                so = s16 * CPW
                do = d16 * CPW
                uvs = [plsc.load_gather(uflat, [so + c])
                       for c in range(CPW)]
                idxs = [do + c for c in range(CPW)]
                for c in range(CPW):
                    av = plsc.load_gather(acc, [idxs[c]])
                    plsc.store_scatter(acc, [idxs[c]], uvs[c],
                                       mask=uvs[c] > av)
                info.append((acc, idxs, uvs))

            @pl.when(fb[p, pl.ds(q, 16)][0] != 0)
            def _():
                stills = []
                for acc, idxs, uvs in info:
                    for c in range(CPW):
                        av2 = plsc.load_gather(acc, [idxs[c]])
                        stills.append(uvs[c] > av2)
                cnt0 = plsc.all_reduce_population_count(_or_all(stills))[0]

                @pl.when(cnt0 > 0)
                def _():
                    def repair(_cnt):
                        st2 = []
                        for acc, idxs, uvs in info:
                            for c in range(CPW):
                                av = plsc.load_gather(acc, [idxs[c]])
                                plsc.store_scatter(acc, [idxs[c]], uvs[c],
                                                   mask=uvs[c] > av)
                                av2 = plsc.load_gather(acc, [idxs[c]])
                                st2.append(uvs[c] > av2)
                        return plsc.all_reduce_population_count(
                            _or_all(st2))[0]

                    lax.while_loop(lambda cnt: cnt > 0, repair, jnp.int32(1))

            return 0

        lax.fori_loop(0, NBL, blk_body, 0)

        @pl.when(ci + 2 < NCH)
        def _():
            pltpu.make_async_copy(edge_hbm.at[:, pl.ds((ci + 2) * CH, CH)],
                                  eb.at[p], sems.at[p]).start()
            pltpu.make_async_copy(flag_hbm.at[pl.ds((ci + 2) * 16, 16)],
                                  fb.at[p, pl.ds(0, 16)],
                                  fsems.at[p]).start()

        return 0

    lax.fori_loop(0, NCH, chunk_body, 0)

    def merge(i, _):
        sl = pl.ds(i * 16, 16)
        acc_a[sl] = jnp.maximum(acc_a[sl], acc_b[sl])
        return 0

    lax.fori_loop(0, NTW // 16, merge, 0)
    pltpu.sync_copy(acc_a, out_hbm.at[wid])


def _sc_segmax(u_t, edge_index, blk_flags):
    mesh = plsc.VectorSubcoreMesh(core_axis_name="c", subcore_axis_name="s")
    f = pl.kernel(
        _sc_body,
        out_type=jax.ShapeDtypeStruct((NW, NTW), jnp.float32),
        mesh=mesh,
        scratch_types=[
            pltpu.VMEM((NTW,), jnp.float32),
            pltpu.VMEM((NTW,), jnp.float32),
            pltpu.VMEM((NTW,), jnp.float32),
            pltpu.VMEM((2, 2, CH), jnp.int32),
            pltpu.VMEM((2, NBL - 1 + 16), jnp.int32),
            pltpu.SemaphoreType.DMA((2,)),
            pltpu.SemaphoreType.DMA((2,)),
        ],
        compiler_params=pltpu.CompilerParams(needs_layout_passes=False),
    )
    return f(u_t, edge_index, blk_flags)


def _tc2a_body(smax_ref, v_ref, h_ref, noise_ref, G1_ref, c1_ref, G2_ref,
               c2_ref, ns_ref, hh_ref, sums_ref):
    i = pl.program_id(0)
    sm = smax_ref[...]
    agg = jnp.where(jnp.isneginf(sm), 0.0, _leaky(sm + v_ref[...]))
    t = _leaky(jnp.dot(agg, G1_ref[...], preferred_element_type=jnp.float32)
               + c1_ref[...])
    out = (jnp.dot(t, G2_ref[...], preferred_element_type=jnp.float32)
           + c2_ref[...])
    hh = _leaky(h_ref[...] + out + noise_ref[...] * ns_ref[0, 0])
    rows = i * ROWB + lax.broadcasted_iota(jnp.int32, (ROWB, 1), 0)
    hh = jnp.where(rows < N, hh, 0.0)
    hh_ref[...] = hh

    s1 = jnp.sum(hh, axis=0, keepdims=True)
    s2 = jnp.sum(hh * hh, axis=0, keepdims=True)

    @pl.when(i == 0)
    def _():
        sums_ref[...] = jnp.zeros_like(sums_ref)

    sums_ref[0:1, :] += s1
    sums_ref[1:2, :] += s2


def _tc2a(smax, v, h_p, noise_p, G1, c1, G2, c2, ns):
    full = lambda r, c: pl.BlockSpec((r, c), lambda i: (0, 0))
    rb = pl.BlockSpec((ROWB, C), lambda i: (i, 0))
    return pl.pallas_call(
        _tc2a_body,
        grid=(NBLK,),
        in_specs=[rb, rb, rb, rb, full(C, C), full(1, C), full(C, C),
                  full(1, C), full(1, 1)],
        out_specs=[rb, full(8, C)],
        out_shape=[jax.ShapeDtypeStruct((NPAD, C), jnp.float32),
                   jax.ShapeDtypeStruct((8, C), jnp.float32)],
    )(smax, v, h_p, noise_p, G1, c1, G2, c2, ns)


def _tc2b_body(hh_ref, sums_ref, style_ref, Wa_ref, ba_ref, o_ref):
    s1 = sums_ref[0:1, :]
    s2 = sums_ref[1:2, :]
    mean = s1 * (1.0 / N)
    var = s2 * (1.0 / N) - mean * mean
    inv = lax.rsqrt(var + 1e-5)
    st = (jnp.dot(style_ref[...], Wa_ref[...],
                  preferred_element_type=jnp.float32) + ba_ref[...])
    gamma = st[:, :C]
    beta = st[:, C:]
    o_ref[...] = gamma * ((hh_ref[...] - mean) * inv) + beta


def _tc2b(hh, sums, style_p, WaT, ba):
    full = lambda r, c: pl.BlockSpec((r, c), lambda i: (0, 0))
    rb = pl.BlockSpec((ROWB, C), lambda i: (i, 0))
    return pl.pallas_call(
        _tc2b_body,
        grid=(NBLK,),
        in_specs=[rb, full(8, C), rb, full(C, 2 * C), full(1, 2 * C)],
        out_specs=rb,
        out_shape=jax.ShapeDtypeStruct((NPAD, C), jnp.float32),
    )(hh, sums, style_p, WaT, ba)


@jax.jit
def kernel(h, pos, style, noise, W1h, b1h, W2h, b2h, Wf, bf, W1g, b1g, W2g,
           b2g, W_aff, b_aff, noise_strength, edge_index):
    pad = NPAD - N
    h_p = jnp.pad(h, ((0, pad), (0, 0)))
    pos8 = jnp.pad(pos, ((0, pad), (0, 5)))
    noise_p = jnp.pad(noise, ((0, pad), (0, 0)))
    style_p = jnp.pad(style, ((0, pad), (0, 0)))

    A1 = W1h.T
    b1 = b1h.reshape(1, C)
    A2 = jnp.pad(W2h.T, ((0, 0), (0, 5)))
    b2 = jnp.pad(b2h, (0, 5)).reshape(1, 8)
    G3 = jnp.pad(Wf[:, :3].T, ((0, 5), (0, 0)))
    AH = Wf[:, 3:].T
    bfr = bf.reshape(1, C)
    G1 = W1g.T
    c1 = b1g.reshape(1, C)
    G2 = W2g.T
    c2 = b2g.reshape(1, C)
    WaT = W_aff.T
    ba = b_aff.reshape(1, 2 * C)
    ns = noise_strength.reshape(1, 1)

    u, v = _tc1(h_p, pos8, A1, b1, A2, b2, G3, AH, bfr)

    dstg = edge_index[1].reshape(E // 16, 16)
    dup = jnp.zeros((E // 16, 16), jnp.bool_)
    for k in range(1, 16):
        dup = dup | (dstg == jnp.roll(dstg, k, axis=1))
    blk_flags = jnp.any(jnp.any(dup, axis=1).reshape(NCH * NBL, GPB),
                        axis=1).astype(jnp.int32)
    blk_flags = jnp.pad(blk_flags.reshape(NCH, NBL),
                        ((0, 0), (0, 16 - NBL))).reshape(NCH * 16)

    u_t = (jnp.pad(u, ((0, NT - NPAD), (0, 0)))
           .reshape(NT, NW, CPW).transpose(1, 0, 2).reshape(NW, NTW))
    smax_t = _sc_segmax(u_t, edge_index, blk_flags)
    smax = (smax_t.reshape(NW, NT, CPW).transpose(1, 0, 2)
            .reshape(NT, C)[:NPAD])

    hh, sums = _tc2a(smax, v, h_p, noise_p, G1, c1, G2, c2, ns)
    final = _tc2b(hh, sums, style_p, WaT, ba)
    return final[:N]

# --- scband reference (transcript-rebuilt; emitter-appended) ---
"""Pipeline reference for scband-synthetic-block-4063039062082 (READ-ONLY COPY).

The authoritative reference and input builder live on the scoring server;
editing this copy changes nothing except your own understanding.
"""

import jax, jax.numpy as jnp
import numpy as np

N = 10000
E = 320000
C = 128
S = 128

def _leaky(x):
    return jnp.where(x >= 0, x, 0.01 * x)

def setup_inputs(seed: int = 0) -> dict:
    key = jax.random.key(seed)
    ks = jax.random.split(key, 20)
    h = jax.random.normal(ks[0], (N, C), dtype=jnp.float32)
    pos = jax.random.normal(ks[1], (N, 3), dtype=jnp.float32)
    edge_index = jax.random.randint(ks[2], (2, E), 0, N, dtype=jnp.int32)
    style = jax.random.normal(ks[3], (N, S), dtype=jnp.float32)
    # fixed noise sample (randn_like in torch); noise_strength param is zero-init
    noise = jax.random.normal(ks[4], (N, C), dtype=jnp.float32)
    def lin(k, fan_out, fan_in):
        b = 1.0 / np.sqrt(fan_in)
        return jax.random.uniform(k, (fan_out, fan_in), jnp.float32, -b, b)
    # mlp_h: Linear(C,C) -> LeakyReLU -> Linear(C,3) -> Tanh
    W1h = lin(ks[5], C, C); b1h = jnp.zeros((C,), jnp.float32)
    W2h = lin(ks[6], 3, C); b2h = jnp.zeros((3,), jnp.float32)
    # mlp_f: Linear(C+3,C) -> LeakyReLU
    Wf = lin(ks[7], C, C + 3); bf = jnp.zeros((C,), jnp.float32)
    # mlp_g: Linear(C,C) -> LeakyReLU -> Linear(C,C)
    W1g = lin(ks[8], C, C); b1g = jnp.zeros((C,), jnp.float32)
    W2g = lin(ks[9], C, C); b2g = jnp.zeros((C,), jnp.float32)
    # affine: Linear(S, 2C), weight ~ N(0,1), bias = [ones_C, zeros_C]
    W_aff = jax.random.normal(ks[10], (2 * C, S), dtype=jnp.float32)
    b_aff = jnp.concatenate([jnp.ones((C,), jnp.float32), jnp.zeros((C,), jnp.float32)])
    noise_strength = jnp.zeros((), jnp.float32)
    return {"h": h, "pos": pos, "style": style, "noise": noise,
            "W1h": W1h, "b1h": b1h, "W2h": W2h, "b2h": b2h,
            "Wf": Wf, "bf": bf, "W1g": W1g, "b1g": b1g, "W2g": W2g, "b2g": b2g,
            "W_aff": W_aff, "b_aff": b_aff, "noise_strength": noise_strength,
            "edge_index": edge_index}

def reference(h, pos, style, noise, W1h, b1h, W2h, b2h, Wf, bf, W1g, b1g, W2g, b2g, W_aff, b_aff, noise_strength, edge_index):
    src = edge_index[0]  # j (source)
    dst = edge_index[1]  # i (target)
    n = h.shape[0]
    # PointGNNConv: delta_i = mlp_h(x_i); e = mlp_f([pos_j - pos_i + delta_i, x_j]); max-aggr; out = x + mlp_g(agg)
    delta = jnp.tanh(_leaky(h @ W1h.T + b1h) @ W2h.T + b2h)  # [N,3]
    e = pos[src] - pos[dst] + delta[dst]                      # [E,3]
    e = jnp.concatenate([e, h[src]], axis=-1)                 # [E,C+3]
    m = _leaky(e @ Wf.T + bf)                                 # [E,C]
    agg = jax.ops.segment_max(m, dst, num_segments=n)
    agg = jnp.where(jnp.isneginf(agg), 0.0, agg)              # empty segments -> 0
    out = _leaky(agg @ W1g.T + b1g) @ W2g.T + b2g
    hh = h + out
    # noise branch (noise_strength zero-init, kept for faithfulness)
    hh = hh + noise * noise_strength
    hh = _leaky(hh)
    # gnn.InstanceNorm with batch=None: normalize per channel over all nodes (biased var)
    mean = jnp.mean(hh, axis=0, keepdims=True)
    var = jnp.var(hh, axis=0, keepdims=True)
    normed = (hh - mean) / jnp.sqrt(var + 1e-5)
    st = style @ W_aff.T + b_aff
    gamma = st[:, :C]
    beta = st[:, C:]
    return gamma * normed + beta

if __name__ == "__main__":
    import jax
    _d = setup_inputs()
    print(jax.jit(kernel)(*tuple(_d.values())))

</pallas_src>

<mosaic_0001>
#map = affine_map<(d0, d1) -> (0, 0)>
#map1 = affine_map<(d0, d1) -> (0)>
module attributes {stable_mosaic.version = 14 : i64} {
  func.func @_sc_body(%arg0: i32, %arg1: i32, %arg2: memref<32x40976xf32, #tpu.memory_space<hbm>>, %arg3: memref<2x320000xi32, #tpu.memory_space<hbm>>, %arg4: memref<4000xi32, #tpu.memory_space<hbm>>, %arg5: memref<32x40976xf32, #tpu.memory_space<hbm>>, %arg6: memref<40976xf32, #tpu.memory_space<vmem>>, %arg7: memref<40976xf32, #tpu.memory_space<vmem>>, %arg8: memref<40976xf32, #tpu.memory_space<vmem>>, %arg9: memref<2x2x1280xi32, #tpu.memory_space<vmem>>, %arg10: memref<2x25xi32, #tpu.memory_space<vmem>>, %arg11: memref<2x!tpu.dma_semaphore, #tpu.memory_space<semaphore_mem>>, %arg12: memref<2x!tpu.dma_semaphore, #tpu.memory_space<semaphore_mem>>) attributes {dimension_semantics = [#tpu.dimension_semantics<core_parallel>, #tpu.dimension_semantics<subcore_parallel>], iteration_bounds = array<i64: 2, 16>, scalar_prefetch = 0 : i64, scratch_operands = 7 : i64, tpu.core_type = #tpu.core_type<sc_vector_subcore>, window_params = [{transform_indices = #map}, {transform_indices = #map}, {transform_indices = #map1}, {transform_indices = #map}]} {
    %mul3A = arith.constant 2 : i32
    %mul3A_0 = arith.muli %arg1, %mul3A : i32
    %add3A = arith.addi %mul3A_0, %arg0 : i32
    "tpu.region"() ({
      %run_scoped3A = tpu.sem_alloc : memref<!tpu.dma_semaphore, #tpu.memory_space<semaphore_mem>>
      %dma_start3A_94 = arith.constant 0 : i32
      %dma_start3A_95 = tpu.memref_slice %arg2[%add3A, %dma_start3A_94] : memref<32x40976xf32, #tpu.memory_space<hbm>> -> memref<1x40976xf32, #tpu.memory_space<hbm>>
      %dma_start3A_96 = tpu.memref_squeeze %dma_start3A_95 : memref<1x40976xf32, #tpu.memory_space<hbm>> -> memref<40976xf32, #tpu.memory_space<hbm>>
      %dma_start3A_97 = arith.constant 0 : i32
      %dma_start3A_98 = tpu.memref_slice %arg2[%add3A, %dma_start3A_97] : memref<32x40976xf32, #tpu.memory_space<hbm>> -> memref<1x40976xf32, #tpu.memory_space<hbm>>
      %dma_start3A_99 = tpu.memref_squeeze %dma_start3A_98 : memref<1x40976xf32, #tpu.memory_space<hbm>> -> memref<40976xf32, #tpu.memory_space<hbm>>
      tpu.enqueue_dma source(%dma_start3A_99 : memref<40976xf32, #tpu.memory_space<hbm>>) target(%arg6 : memref<40976xf32, #tpu.memory_space<vmem>>) target_semaphore(%run_scoped3A : memref<!tpu.dma_semaphore, #tpu.memory_space<semaphore_mem>>)
      %dma_wait3A = arith.constant 0 : i32
      %dma_wait3A_100 = tpu.memref_slice %arg2[%add3A, %dma_wait3A] : memref<32x40976xf32, #tpu.memory_space<hbm>> -> memref<1x40976xf32, #tpu.memory_space<hbm>>
      %dma_wait3A_101 = tpu.memref_squeeze %dma_wait3A_100 : memref<1x40976xf32, #tpu.memory_space<hbm>> -> memref<40976xf32, #tpu.memory_space<hbm>>
      %dma_wait3A_102 = arith.constant 0 : i32
      %dma_wait3A_103 = tpu.memref_slice %arg2[%add3A, %dma_wait3A_102] : memref<32x40976xf32, #tpu.memory_space<hbm>> -> memref<1x40976xf32, #tpu.memory_space<hbm>>
      %dma_wait3A_104 = tpu.memref_squeeze %dma_wait3A_103 : memref<1x40976xf32, #tpu.memory_space<hbm>> -> memref<40976xf32, #tpu.memory_space<hbm>>
      tpu.wait_dma2 semaphore(%run_scoped3A : memref<!tpu.dma_semaphore, #tpu.memory_space<semaphore_mem>>) src(%dma_wait3A_104 : memref<40976xf32, #tpu.memory_space<hbm>>) dst(%arg6 : memref<40976xf32, #tpu.memory_space<vmem>>)
      tpu.yield
    }) : () -> ()
    %broadcast_in_dim3A = arith.constant 0xFF800000 : f32
    %broadcast_in_dim3A_1 = vector.broadcast %broadcast_in_dim3A : f32 to vector<16xf32>
    %scan3A = arith.constant 0 : i32
    %scan3A_2 = arith.constant 0 : i32
    %scan3A_3 = arith.constant 2561 : i32
    %scan3A_4 = arith.addi %scan3A_2, %scan3A_3 : i32
    %scan3A_5 = arith.constant 1 : i32
    %scan3A_6 = scf.for %scan3A_94 = %scan3A_2 to %scan3A_4 step %scan3A_5 iter_args(%scan3A_95 = %scan3A) -> (i32)  : i32 {
      %mul3A_96 = arith.constant 16 : i32
      %mul3A_97 = arith.muli %scan3A_94, %mul3A_96 : i32
      %swap3A_98 = arith.index_cast %mul3A_97 : i32 to index
      %swap3A_99 = tpu.vector_load %arg7[%swap3A_98] {strides = array<i32>} : memref<40976xf32, #tpu.memory_space<vmem>>, vector<16xf32>,
      tpu.vector_store %arg7[%swap3A_98], %broadcast_in_dim3A_1 {strides = array<i32>} : memref<40976xf32, #tpu.memory_space<vmem>>, vector<16xf32>,
      %mul3A_100 = arith.constant 16 : i32
      %mul3A_101 = arith.muli %scan3A_94, %mul3A_100 : i32
      %swap3A_102 = arith.index_cast %mul3A_101 : i32 to index
      %swap3A_103 = tpu.vector_load %arg8[%swap3A_102] {strides = array<i32>} : memref<40976xf32, #tpu.memory_space<vmem>>, vector<16xf32>,
      tpu.vector_store %arg8[%swap3A_102], %broadcast_in_dim3A_1 {strides = array<i32>} : memref<40976xf32, #tpu.memory_space<vmem>>, vector<16xf32>,
      %scan3A_104 = arith.constant 0 : i32
      scf.yield %scan3A_104 : i32
    }
    %scan3A_7 = arith.constant 2561 : i32
    %broadcast_in_dim3A_8 = arith.constant 0 : i32
    %broadcast_in_dim3A_9 = vector.broadcast %broadcast_in_dim3A_8 : i32 to vector<16xi32>
    %swap3A = arith.constant 0 : i32
    %swap3A_10 = arith.index_cast %swap3A : i32 to index
    %swap3A_11 = arith.constant 9 : index
    %swap3A_12 = tpu.vector_load %arg10[%swap3A_10, %swap3A_11] {strides = array<i32>} : memref<2x25xi32, #tpu.memory_space<vmem>>, vector<16xi32>,
    tpu.vector_store %arg10[%swap3A_10, %swap3A_11], %broadcast_in_dim3A_9 {strides = array<i32>} : memref<2x25xi32, #tpu.memory_space<vmem>>, vector<16xi32>,
    %swap3A_13 = arith.constant 1 : i32
    %swap3A_14 = arith.index_cast %swap3A_13 : i32 to index
    %swap3A_15 = arith.constant 9 : index
    %swap3A_16 = tpu.vector_load %arg10[%swap3A_14, %swap3A_15] {strides = array<i32>} : memref<2x25xi32, #tpu.memory_space<vmem>>, vector<16xi32>,
    tpu.vector_store %arg10[%swap3A_14, %swap3A_15], %broadcast_in_dim3A_9 {strides = array<i32>} : memref<2x25xi32, #tpu.memory_space<vmem>>, vector<16xi32>,
    %dma_start3A = arith.constant 0 : i32
    %dma_start3A_17 = arith.constant 0 : i32
    %dma_start3A_18 = arith.constant 0 : i32
    %dma_start3A_19 = arith.constant 0 : i32
    %dma_start3A_20 = tpu.memref_slice %arg9[%dma_start3A, %dma_start3A_18, %dma_start3A_19] : memref<2x2x1280xi32, #tpu.memory_space<vmem>> -> memref<1x2x1280xi32, #tpu.memory_space<vmem>>
    %dma_start3A_21 = tpu.memref_squeeze %dma_start3A_20 : memref<1x2x1280xi32, #tpu.memory_space<vmem>> -> memref<2x1280xi32, #tpu.memory_space<vmem>>
    %dma_start3A_22 = arith.constant 0 : i32
    %dma_start3A_23 = arith.constant 0 : i32
    %dma_start3A_24 = tpu.memref_slice %arg3[%dma_start3A_22, %dma_start3A_23] : memref<2x320000xi32, #tpu.memory_space<hbm>> -> memref<2x1280xi32, #tpu.memory_space<hbm>>
    %dma_start3A_25 = tpu.memref_slice %arg11[%dma_start3A_17] : memref<2x!tpu.dma_semaphore, #tpu.memory_space<semaphore_mem>> -> memref<1x!tpu.dma_semaphore, #tpu.memory_space<semaphore_mem>>
    %dma_start3A_26 = tpu.memref_squeeze %dma_start3A_25 : memref<1x!tpu.dma_semaphore, #tpu.memory_space<semaphore_mem>> -> memref<!tpu.dma_semaphore, #tpu.memory_space<semaphore_mem>>
    %dma_start3A_27 = arith.constant 0 : i32
    %dma_start3A_28 = arith.constant 0 : i32
    %dma_start3A_29 = tpu.memref_slice %arg9[%dma_start3A, %dma_start3A_27, %dma_start3A_28] : memref<2x2x1280xi32, #tpu.memory_space<vmem>> -> memref<1x2x1280xi32, #tpu.memory_space<vmem>>
    %dma_start3A_30 = tpu.memref_squeeze %dma_start3A_29 : memref<1x2x1280xi32, #tpu.memory_space<vmem>> -> memref<2x1280xi32, #tpu.memory_space<vmem>>
    %dma_start3A_31 = arith.constant 0 : i32
    %dma_start3A_32 = arith.constant 0 : i32
    %dma_start3A_33 = tpu.memref_slice %arg3[%dma_start3A_31, %dma_start3A_32] : memref<2x320000xi32, #tpu.memory_space<hbm>> -> memref<2x1280xi32, #tpu.memory_space<hbm>>
    tpu.enqueue_dma source(%dma_start3A_33 : memref<2x1280xi32, #tpu.memory_space<hbm>>) target(%dma_start3A_30 : memref<2x1280xi32, #tpu.memory_space<vmem>>) target_semaphore(%dma_start3A_26 : memref<!tpu.dma_semaphore, #tpu.memory_space<semaphore_mem>>)
    %dma_start3A_34 = arith.constant 1 : i32
    %dma_start3A_35 = arith.constant 1 : i32
    %dma_start3A_36 = arith.constant 0 : i32
    %dma_start3A_37 = arith.constant 0 : i32
    %dma_start3A_38 = tpu.memref_slice %arg9[%dma_start3A_34, %dma_start3A_36, %dma_start3A_37] : memref<2x2x1280xi32, #tpu.memory_space<vmem>> -> memref<1x2x1280xi32, #tpu.memory_space<vmem>>
    %dma_start3A_39 = tpu.memref_squeeze %dma_start3A_38 : memref<1x2x1280xi32, #tpu.memory_space<vmem>> -> memref<2x1280xi32, #tpu.memory_space<vmem>>
    %dma_start3A_40 = arith.constant 0 : i32
    %dma_start3A_41 = arith.constant 1280 : i32
    %dma_start3A_42 = tpu.memref_slice %arg3[%dma_start3A_40, %dma_start3A_41] : memref<2x320000xi32, #tpu.memory_space<hbm>> -> memref<2x1280xi32, #tpu.memory_space<hbm>>
    %dma_start3A_43 = tpu.memref_slice %arg11[%dma_start3A_35] : memref<2x!tpu.dma_semaphore, #tpu.memory_space<semaphore_mem>> -> memref<1x!tpu.dma_semaphore, #tpu.memory_space<semaphore_mem>>
    %dma_start3A_44 = tpu.memref_squeeze %dma_start3A_43 : memref<1x!tpu.dma_semaphore, #tpu.memory_space<semaphore_mem>> -> memref<!tpu.dma_semaphore, #tpu.memory_space<semaphore_mem>>
    %dma_start3A_45 = arith.constant 0 : i32
    %dma_start3A_46 = arith.constant 0 : i32
    %dma_start3A_47 = tpu.memref_slice %arg9[%dma_start3A_34, %dma_start3A_45, %dma_start3A_46] : memref<2x2x1280xi32, #tpu.memory_space<vmem>> -> memref<1x2x1280xi32, #tpu.memory_space<vmem>>
    %dma_start3A_48 = tpu.memref_squeeze %dma_start3A_47 : memref<1x2x1280xi32, #tpu.memory_space<vmem>> -> memref<2x1280xi32, #tpu.memory_space<vmem>>
    %dma_start3A_49 = arith.constant 0 : i32
    %dma_start3A_50 = arith.constant 1280 : i32
    %dma_start3A_51 = tpu.memref_slice %arg3[%dma_start3A_49, %dma_start3A_50] : memref<2x320000xi32, #tpu.memory_space<hbm>> -> memref<2x1280xi32, #tpu.memory_space<hbm>>
    tpu.enqueue_dma source(%dma_start3A_51 : memref<2x1280xi32, #tpu.memory_space<hbm>>) target(%dma_start3A_48 : memref<2x1280xi32, #tpu.memory_space<vmem>>) target_semaphore(%dma_start3A_44 : memref<!tpu.dma_semaphore, #tpu.memory_space<semaphore_mem>>)
    %dma_start3A_52 = arith.constant 0 : i32
    %dma_start3A_53 = arith.constant 0 : i32
    %dma_start3A_54 = arith.constant 0 : i32
    %dma_start3A_55 = tpu.memref_slice %arg10[%dma_start3A_52, %dma_start3A_54] : memref<2x25xi32, #tpu.memory_space<vmem>> -> memref<1x16xi32, #tpu.memory_space<vmem>>
    %dma_start3A_56 = tpu.memref_squeeze %dma_start3A_55 : memref<1x16xi32, #tpu.memory_space<vmem>> -> memref<16xi32, #tpu.memory_space<vmem>>
    %dma_start3A_57 = arith.constant 0 : i32
    %dma_start3A_58 = tpu.memref_slice %arg4[%dma_start3A_57] : memref<4000xi32, #tpu.memory_space<hbm>> -> memref<16xi32, #tpu.memory_space<hbm>>
    %dma_start3A_59 = tpu.memref_slice %arg12[%dma_start3A_53] : memref<2x!tpu.dma_semaphore, #tpu.memory_space<semaphore_mem>> -> memref<1x!tpu.dma_semaphore, #tpu.memory_space<semaphore_mem>>
    %dma_start3A_60 = tpu.memref_squeeze %dma_start3A_59 : memref<1x!tpu.dma_semaphore, #tpu.memory_space<semaphore_mem>> -> memref<!tpu.dma_semaphore, #tpu.memory_space<semaphore_mem>>
    %dma_start3A_61 = arith.constant 0 : i32
    %dma_start3A_62 = tpu.memref_slice %arg10[%dma_start3A_52, %dma_start3A_61] : memref<2x25xi32, #tpu.memory_space<vmem>> -> memref<1x16xi32, #tpu.memory_space<vmem>>
    %dma_start3A_63 = tpu.memref_squeeze %dma_start3A_62 : memref<1x16xi32, #tpu.memory_space<vmem>> -> memref<16xi32, #tpu.memory_space<vmem>>
    %dma_start3A_64 = arith.constant 0 : i32
    %dma_start3A_65 = tpu.memref_slice %arg4[%dma_start3A_64] : memref<4000xi32, #tpu.memory_space<hbm>> -> memref<16xi32, #tpu.memory_space<hbm>>
    tpu.enqueue_dma source(%dma_start3A_65 : memref<16xi32, #tpu.memory_space<hbm>>) target(%dma_start3A_63 : memref<16xi32, #tpu.memory_space<vmem>>) target_semaphore(%dma_start3A_60 : memref<!tpu.dma_semaphore, #tpu.memory_space<semaphore_mem>>)
    %dma_start3A_66 = arith.constant 1 : i32
    %dma_start3A_67 = arith.constant 1 : i32
    %dma_start3A_68 = arith.constant 0 : i32
    %dma_start3A_69 = tpu.memref_slice %arg10[%dma_start3A_66, %dma_start3A_68] : memref<2x25xi32, #tpu.memory_space<vmem>> -> memref<1x16xi32, #tpu.memory_space<vmem>>
    %dma_start3A_70 = tpu.memref_squeeze %dma_start3A_69 : memref<1x16xi32, #tpu.memory_space<vmem>> -> memref<16xi32, #tpu.memory_space<vmem>>
    %dma_start3A_71 = arith.constant 16 : i32
    %dma_start3A_72 = tpu.memref_slice %arg4[%dma_start3A_71] : memref<4000xi32, #tpu.memory_space<hbm>> -> memref<16xi32, #tpu.memory_space<hbm>>
    %dma_start3A_73 = tpu.memref_slice %arg12[%dma_start3A_67] : memref<2x!tpu.dma_semaphore, #tpu.memory_space<semaphore_mem>> -> memref<1x!tpu.dma_semaphore, #tpu.memory_space<semaphore_mem>>
    %dma_start3A_74 = tpu.memref_squeeze %dma_start3A_73 : memref<1x!tpu.dma_semaphore, #tpu.memory_space<semaphore_mem>> -> memref<!tpu.dma_semaphore, #tpu.memory_space<semaphore_mem>>
    %dma_start3A_75 = arith.constant 0 : i32
    %dma_start3A_76 = tpu.memref_slice %arg10[%dma_start3A_66, %dma_start3A_75] : memref<2x25xi32, #tpu.memory_space<vmem>> -> memref<1x16xi32, #tpu.memory_space<vmem>>
    %dma_start3A_77 = tpu.memref_squeeze %dma_start3A_76 : memref<1x16xi32, #tpu.memory_space<vmem>> -> memref<16xi32, #tpu.memory_space<vmem>>
    %dma_start3A_78 = arith.constant 16 : i32
    %dma_start3A_79 = tpu.memref_slice %arg4[%dma_start3A_78] : memref<4000xi32, #tpu.memory_space<hbm>> -> memref<16xi32, #tpu.memory_space<hbm>>
    tpu.enqueue_dma source(%dma_start3A_79 : memref<16xi32, #tpu.memory_space<hbm>>) target(%dma_start3A_77 : memref<16xi32, #tpu.memory_space<vmem>>) target_semaphore(%dma_start3A_74 : memref<!tpu.dma_semaphore, #tpu.memory_space<semaphore_mem>>)
    %scan3A_80 = arith.constant 0 : i32
    %scan3A_81 = arith.constant 0 : i32
    %scan3A_82 = arith.constant 250 : i32
    %scan3A_83 = arith.addi %scan3A_81, %scan3A_82 : i32
    %scan3A_84 = arith.constant 1 : i32
    %scan3A_85 = scf.for %scan3A_94 = %scan3A_81 to %scan3A_83 step %scan3A_84 iter_args(%scan3A_95 = %scan3A_80) -> (i32)  : i32 {
      %jit3A = arith.constant 2 : i32
      %eq3A = arith.constant 0 : i32
      %eq3A_96 = arith.cmpi eq, %jit3A, %eq3A : i32
      %jit3A_97 = arith.constant 1 : i32
      %select_n3A = arith.select %eq3A_96, %jit3A_97, %jit3A : i32
      %rem3A = arith.remsi %scan3A_94, %select_n3A : i32
      %ne3A = arith.constant 0 : i32
      %ne3A_98 = arith.cmpi ne, %rem3A, %ne3A : i32
      %lt3A = arith.constant 0 : i32
      %lt3A_99 = arith.cmpi slt, %rem3A, %lt3A : i32
      %lt3A_100 = arith.constant 0 : i32
      %lt3A_101 = arith.cmpi slt, %select_n3A, %lt3A_100 : i32
      %ne3A_102 = arith.xori %lt3A_99, %lt3A_101 : i1
      %and3A = arith.andi %ne3A_102, %ne3A_98 : i1
      %add3A_103 = arith.addi %rem3A, %select_n3A : i32
      %select_n3A_104 = arith.select %and3A, %add3A_103, %rem3A : i32
      %mul3A_105 = arith.constant 1280 : i32
      %mul3A_106 = arith.muli %scan3A_94, %mul3A_105 : i32
      %dma_wait3A = arith.constant 0 : i32
      %dma_wait3A_107 = arith.constant 0 : i32
      %dma_wait3A_108 = tpu.memref_slice %arg9[%select_n3A_104, %dma_wait3A, %dma_wait3A_107] : memref<2x2x1280xi32, #tpu.memory_space<vmem>> -> memref<1x2x1280xi32, #tpu.memory_space<vmem>>
      %dma_wait3A_109 = tpu.memref_squeeze %dma_wait3A_108 : memref<1x2x1280xi32, #tpu.memory_space<vmem>> -> memref<2x1280xi32, #tpu.memory_space<vmem>>
      %dma_wait3A_110 = arith.constant 0 : i32
      %dma_wait3A_111 = tpu.memref_slice %arg3[%dma_wait3A_110, %mul3A_106] : memref<2x320000xi32, #tpu.memory_space<hbm>> -> memref<2x1280xi32, #tpu.memory_space<hbm>>
      %dma_wait3A_112 = tpu.memref_slice %arg11[%select_n3A_104] : memref<2x!tpu.dma_semaphore, #tpu.memory_space<semaphore_mem>> -> memref<1x!tpu.dma_semaphore, #tpu.memory_space<semaphore_mem>>
      %dma_wait3A_113 = tpu.memref_squeeze %dma_wait3A_112 : memref<1x!tpu.dma_semaphore, #tpu.memory_space<semaphore_mem>> -> memref<!tpu.dma_semaphore, #tpu.memory_space<semaphore_mem>>
      %dma_wait3A_114 = arith.constant 0 : i32
      %dma_wait3A_115 = arith.constant 0 : i32
      %dma_wait3A_116 = tpu.memref_slice %arg9[%select_n3A_104, %dma_wait3A_114, %dma_wait3A_115] : memref<2x2x1280xi32, #tpu.memory_space<vmem>> -> memref<1x2x1280xi32, #tpu.memory_space<vmem>>
      %dma_wait3A_117 = tpu.memref_squeeze %dma_wait3A_116 : memref<1x2x1280xi32, #tpu.memory_space<vmem>> -> memref<2x1280xi32, #tpu.memory_space<vmem>>
      %dma_wait3A_118 = arith.constant 0 : i32
      %dma_wait3A_119 = tpu.memref_slice %arg3[%dma_wait3A_118, %mul3A_106] : memref<2x320000xi32, #tpu.memory_space<hbm>> -> memref<2x1280xi32, #tpu.memory_space<hbm>>
      tpu.wait_dma2 semaphore(%dma_wait3A_113 : memref<!tpu.dma_semaphore, #tpu.memory_space<semaphore_mem>>) src(%dma_wait3A_119 : memref<2x1280xi32, #tpu.memory_space<hbm>>) dst(%dma_wait3A_117 : memref<2x1280xi32, #tpu.memory_space<vmem>>)
      %mul3A_120 = arith.constant 16 : i32
      %mul3A_121 = arith.muli %scan3A_94, %mul3A_120 : i32
      %dma_wait3A_122 = arith.constant 0 : i32
      %dma_wait3A_123 = tpu.memref_slice %arg10[%select_n3A_104, %dma_wait3A_122] : memref<2x25xi32, #tpu.memory_space<vmem>> -> memref<1x16xi32, #tpu.memory_space<vmem>>
      %dma_wait3A_124 = tpu.memref_squeeze %dma_wait3A_123 : memref<1x16xi32, #tpu.memory_space<vmem>> -> memref<16xi32, #tpu.memory_space<vmem>>
      %dma_wait3A_125 = tpu.memref_slice %arg4[%mul3A_121] : memref<4000xi32, #tpu.memory_space<hbm>> -> memref<16xi32, #tpu.memory_space<hbm>>
      %dma_wait3A_126 = tpu.memref_slice %arg12[%select_n3A_104] : memref<2x!tpu.dma_semaphore, #tpu.memory_space<semaphore_mem>> -> memref<1x!tpu.dma_semaphore, #tpu.memory_space<semaphore_mem>>
      %dma_wait3A_127 = tpu.memref_squeeze %dma_wait3A_126 : memref<1x!tpu.dma_semaphore, #tpu.memory_space<semaphore_mem>> -> memref<!tpu.dma_semaphore, #tpu.memory_space<semaphore_mem>>
      %dma_wait3A_128 = arith.constant 0 : i32
      %dma_wait3A_129 = tpu.memref_slice %arg10[%select_n3A_104, %dma_wait3A_128] : memref<2x25xi32, #tpu.memory_space<vmem>> -> memref<1x16xi32, #tpu.memory_space<vmem>>
      %dma_wait3A_130 = tpu.memref_squeeze %dma_wait3A_129 : memref<1x16xi32, #tpu.memory_space<vmem>> -> memref<16xi32, #tpu.memory_space<vmem>>
      %dma_wait3A_131 = tpu.memref_slice %arg4[%mul3A_121] : memref<4000xi32, #tpu.memory_space<hbm>> -> memref<16xi32, #tpu.memory_space<hbm>>
      tpu.wait_dma2 semaphore(%dma_wait3A_127 : memref<!tpu.dma_semaphore, #tpu.memory_space<semaphore_mem>>) src(%dma_wait3A_131 : memref<16xi32, #tpu.memory_space<hbm>>) dst(%dma_wait3A_130 : memref<16xi32, #tpu.memory_space<vmem>>)
      %scan3A_132 = arith.constant 0 : i32
      %scan3A_133 = arith.constant 0 : i32
      %scan3A_134 = arith.constant 10 : i32
      %scan3A_135 = arith.addi %scan3A_133, %scan3A_134 : i32
      %scan3A_136 = arith.constant 1 : i32
      %scan3A_137 = scf.for %scan3A_145 = %scan3A_133 to %scan3A_135 step %scan3A_136 iter_args(%scan3A_146 = %scan3A_132) -> (i32)  : i32 {
        %mul3A_147 = arith.constant 8 : i32
        %mul3A_148 = arith.muli %scan3A_145, %mul3A_147 : i32
        %add3A_149 = arith.constant 0 : i32
        %add3A_150 = arith.addi %mul3A_148, %add3A_149 : i32
        %mul3A_151 = arith.constant 16 : i32
        %mul3A_152 = arith.muli %add3A_150, %mul3A_151 : i32
        %get3A = arith.constant 0 : i32
        %get3A_153 = arith.index_cast %select_n3A_104 : i32 to index
        %get3A_154 = arith.index_cast %get3A : i32 to index
        %get3A_155 = arith.index_cast %mul3A_152 : i32 to index
        %get3A_156 = tpu.vector_load %arg9[%get3A_153, %get3A_154, %get3A_155] {strides = array<i32>} : memref<2x2x1280xi32, #tpu.memory_space<vmem>>, vector<16xi32>,
        %mul3A_157 = arith.constant 16 : i32
        %mul3A_158 = arith.muli %add3A_150, %mul3A_157 : i32
        %get3A_159 = arith.constant 1 : i32
        %get3A_160 = arith.index_cast %select_n3A_104 : i32 to index
        %get3A_161 = arith.index_cast %get3A_159 : i32 to index
        %get3A_162 = arith.index_cast %mul3A_158 : i32 to index
        %get3A_163 = tpu.vector_load %arg9[%get3A_160, %get3A_161, %get3A_162] {strides = array<i32>} : memref<2x2x1280xi32, #tpu.memory_space<vmem>>, vector<16xi32>,
        %mul3A_164 = arith.constant 4 : i32
        %mul3A_165 = vector.broadcast %mul3A_164 : i32 to vector<16xi32>
        %mul3A_166 = arith.muli %get3A_156, %mul3A_165 : vector<16xi32>
        %mul3A_167 = arith.constant 4 : i32
        %mul3A_168 = vector.broadcast %mul3A_167 : i32 to vector<16xi32>
        %mul3A_169 = arith.muli %get3A_163, %mul3A_168 : vector<16xi32>
        %add3A_170 = arith.constant 0 : i32
        %add3A_171 = vector.broadcast %add3A_170 : i32 to vector<16xi32>
        %add3A_172 = arith.addi %mul3A_166, %add3A_171 : vector<16xi32>
        %gather3A = tpu.vector_load_idx %arg6[%add3A_172] : memref<40976xf32, #tpu.memory_space<vmem>>[vector<16xi32>], vector<16xf32>,
        %add3A_173 = arith.constant 1 : i32
        %add3A_174 = vector.broadcast %add3A_173 : i32 to vector<16xi32>
        %add3A_175 = arith.addi %mul3A_166, %add3A_174 : vector<16xi32>
        %gather3A_176 = tpu.vector_load_idx %arg6[%add3A_175] : memref<40976xf32, #tpu.memory_space<vmem>>[vector<16xi32>], vector<16xf32>,
        %add3A_177 = arith.constant 2 : i32
        %add3A_178 = vector.broadcast %add3A_177 : i32 to vector<16xi32>
        %add3A_179 = arith.addi %mul3A_166, %add3A_178 : vector<16xi32>
        %gather3A_180 = tpu.vector_load_idx %arg6[%add3A_179] : memref<40976xf32, #tpu.memory_space<vmem>>[vector<16xi32>], vector<16xf32>,
        %add3A_181 = arith.constant 3 : i32
        %add3A_182 = vector.broadcast %add3A_181 : i32 to vector<16xi32>
        %add3A_183 = arith.addi %mul3A_166, %add3A_182 : vector<16xi32>
        %gather3A_184 = tpu.vector_load_idx %arg6[%add3A_183] : memref<40976xf32, #tpu.memory_space<vmem>>[vector<16xi32>], vector<16xf32>,
        %add3A_185 = arith.constant 0 : i32
        %add3A_186 = vector.broadcast %add3A_185 : i32 to vector<16xi32>
        %add3A_187 = arith.addi %mul3A_169, %add3A_186 : vector<16xi32>
        %add3A_188 = arith.constant 1 : i32
        %add3A_189 = vector.broadcast %add3A_188 : i32 to vector<16xi32>
        %add3A_190 = arith.addi %mul3A_169, %add3A_189 : vector<16xi32>
        %add3A_191 = arith.constant 2 : i32
        %add3A_192 = vector.broadcast %add3A_191 : i32 to vector<16xi32>
        %add3A_193 = arith.addi %mul3A_169, %add3A_192 : vector<16xi32>
        %add3A_194 = arith.constant 3 : i32
        %add3A_195 = vector.broadcast %add3A_194 : i32 to vector<16xi32>
        %add3A_196 = arith.addi %mul3A_169, %add3A_195 : vector<16xi32>
        %gather3A_197 = tpu.vector_load_idx %arg7[%add3A_187] : memref<40976xf32, #tpu.memory_space<vmem>>[vector<16xi32>], vector<16xf32>,
        %gt3A = arith.cmpf ogt, %gather3A, %gather3A_197 : vector<16xf32>
        tpu.vector_store_idx %arg7[%add3A_187], %gather3A masked %gt3A : memref<40976xf32, #tpu.memory_space<vmem>>[vector<16xi32>], vector<16xf32>, vector<16xi1>
        %gather3A_198 = tpu.vector_load_idx %arg7[%add3A_190] : memref<40976xf32, #tpu.memory_space<vmem>>[vector<16xi32>], vector<16xf32>,
        %gt3A_199 = arith.cmpf ogt, %gather3A_176, %gather3A_198 : vector<16xf32>
        tpu.vector_store_idx %arg7[%add3A_190], %gather3A_176 masked %gt3A_199 : memref<40976xf32, #tpu.memory_space<vmem>>[vector<16xi32>], vector<16xf32>, vector<16xi1>
        %gather3A_200 = tpu.vector_load_idx %arg7[%add3A_193] : memref<40976xf32, #tpu.memory_space<vmem>>[vector<16xi32>], vector<16xf32>,
        %gt3A_201 = arith.cmpf ogt, %gather3A_180, %gather3A_200 : vector<16xf32>
        tpu.vector_store_idx %arg7[%add3A_193], %gather3A_180 masked %gt3A_201 : memref<40976xf32, #tpu.memory_space<vmem>>[vector<16xi32>], vector<16xf32>, vector<16xi1>
        %gather3A_202 = tpu.vector_load_idx %arg7[%add3A_196] : memref<40976xf32, #tpu.memory_space<vmem>>[vector<16xi32>], vector<16xf32>,
        %gt3A_203 = arith.cmpf ogt, %gather3A_184, %gather3A_202 : vector<16xf32>
        tpu.vector_store_idx %arg7[%add3A_196], %gather3A_184 masked %gt3A_203 : memref<40976xf32, #tpu.memory_space<vmem>>[vector<16xi32>], vector<16xf32>, vector<16xi1>
        %mul3A_204 = arith.constant 8 : i32
        %mul3A_205 = arith.muli %scan3A_145, %mul3A_204 : i32
        %add3A_206 = arith.constant 1 : i32
        %add3A_207 = arith.addi %mul3A_205, %add3A_206 : i32
        %mul3A_208 = arith.constant 16 : i32
        %mul3A_209 = arith.muli %add3A_207, %mul3A_208 : i32
        %get3A_210 = arith.constant 0 : i32
        %get3A_211 = arith.index_cast %select_n3A_104 : i32 to index
        %get3A_212 = arith.index_cast %get3A_210 : i32 to index
        %get3A_213 = arith.index_cast %mul3A_209 : i32 to index
        %get3A_214 = tpu.vector_load %arg9[%get3A_211, %get3A_212, %get3A_213] {strides = array<i32>} : memref<2x2x1280xi32, #tpu.memory_space<vmem>>, vector<16xi32>,
        %mul3A_215 = arith.constant 16 : i32
        %mul3A_216 = arith.muli %add3A_207, %mul3A_215 : i32
        %get3A_217 = arith.constant 1 : i32
        %get3A_218 = arith.index_cast %select_n3A_104 : i32 to index
        %get3A_219 = arith.index_cast %get3A_217 : i32 to index
        %get3A_220 = arith.index_cast %mul3A_216 : i32 to index
        %get3A_221 = tpu.vector_load %arg9[%get3A_218, %get3A_219, %get3A_220] {strides = array<i32>} : memref<2x2x1280xi32, #tpu.memory_space<vmem>>, vector<16xi32>,
        %mul3A_222 = arith.constant 4 : i32
        %mul3A_223 = vector.broadcast %mul3A_222 : i32 to vector<16xi32>
        %mul3A_224 = arith.muli %get3A_214, %mul3A_223 : vector<16xi32>
        %mul3A_225 = arith.constant 4 : i32
        %mul3A_226 = vector.broadcast %mul3A_225 : i32 to vector<16xi32>
        %mul3A_227 = arith.muli %get3A_221, %mul3A_226 : vector<16xi32>
        %add3A_228 = arith.constant 0 : i32
        %add3A_229 = vector.broadcast %add3A_228 : i32 to vector<16xi32>
        %add3A_230 = arith.addi %mul3A_224, %add3A_229 : vector<16xi32>
        %gather3A_231 = tpu.vector_load_idx %arg6[%add3A_230] : memref<40976xf32, #tpu.memory_space<vmem>>[vector<16xi32>], vector<16xf32>,
        %add3A_232 = arith.constant 1 : i32
        %add3A_233 = vector.broadcast %add3A_232 : i32 to vector<16xi32>
        %add3A_234 = arith.addi %mul3A_224, %add3A_233 : vector<16xi32>
        %gather3A_235 = tpu.vector_load_idx %arg6[%add3A_234] : memref<40976xf32, #tpu.memory_space<vmem>>[vector<16xi32>], vector<16xf32>,
        %add3A_236 = arith.constant 2 : i32
        %add3A_237 = vector.broadcast %add3A_236 : i32 to vector<16xi32>
        %add3A_238 = arith.addi %mul3A_224, %add3A_237 : vector<16xi32>
        %gather3A_239 = tpu.vector_load_idx %arg6[%add3A_238] : memref<40976xf32, #tpu.memory_space<vmem>>[vector<16xi32>], vector<16xf32>,
        %add3A_240 = arith.constant 3 : i32
        %add3A_241 = vector.broadcast %add3A_240 : i32 to vector<16xi32>
        %add3A_242 = arith.addi %mul3A_224, %add3A_241 : vector<16xi32>
        %gather3A_243 = tpu.vector_load_idx %arg6[%add3A_242] : memref<40976xf32, #tpu.memory_space<vmem>>[vector<16xi32>], vector<16xf32>,
        %add3A_244 = arith.constant 0 : i32
        %add3A_245 = vector.broadcast %add3A_244 : i32 to vector<16xi32>
        %add3A_246 = arith.addi %mul3A_227, %add3A_245 : vector<16xi32>
        %add3A_247 = arith.constant 1 : i32
        %add3A_248 = vector.broadcast %add3A_247 : i32 to vector<16xi32>
        %add3A_249 = arith.addi %mul3A_227, %add3A_248 : vector<16xi32>
        %add3A_250 = arith.constant 2 : i32
        %add3A_251 = vector.broadcast %add3A_250 : i32 to vector<16xi32>
        %add3A_252 = arith.addi %mul3A_227, %add3A_251 : vector<16xi32>
        %add3A_253 = arith.constant 3 : i32
        %add3A_254 = vector.broadcast %add3A_253 : i32 to vector<16xi32>
        %add3A_255 = arith.addi %mul3A_227, %add3A_254 : vector<16xi32>
        %gather3A_256 = tpu.vector_load_idx %arg8[%add3A_246] : memref<40976xf32, #tpu.memory_space<vmem>>[vector<16xi32>], vector<16xf32>,
        %gt3A_257 = arith.cmpf ogt, %gather3A_231, %gather3A_256 : vector<16xf32>
        tpu.vector_store_idx %arg8[%add3A_246], %gather3A_231 masked %gt3A_257 : memref<40976xf32, #tpu.memory_space<vmem>>[vector<16xi32>], vector<16xf32>, vector<16xi1>
        %gather3A_258 = tpu.vector_load_idx %arg8[%add3A_249] : memref<40976xf32, #tpu.memory_space<vmem>>[vector<16xi32>], vector<16xf32>,
        %gt3A_259 = arith.cmpf ogt, %gather3A_235, %gather3A_258 : vector<16xf32>
        tpu.vector_store_idx %arg8[%add3A_249], %gather3A_235 masked %gt3A_259 : memref<40976xf32, #tpu.memory_space<vmem>>[vector<16xi32>], vector<16xf32>, vector<16xi1>
        %gather3A_260 = tpu.vector_load_idx %arg8[%add3A_252] : memref<40976xf32, #tpu.memory_space<vmem>>[vector<16xi32>], vector<16xf32>,
        %gt3A_261 = arith.cmpf ogt, %gather3A_239, %gather3A_260 : vector<16xf32>
        tpu.vector_store_idx %arg8[%add3A_252], %gather3A_239 masked %gt3A_261 : memref<40976xf32, #tpu.memory_space<vmem>>[vector<16xi32>], vector<16xf32>, vector<16xi1>
        %gather3A_262 = tpu.vector_load_idx %arg8[%add3A_255] : memref<40976xf32, #tpu.memory_space<vmem>>[vector<16xi32>], vector<16xf32>,
        %gt3A_263 = arith.cmpf ogt, %gather3A_243, %gather3A_262 : vector<16xf32>
        tpu.vector_store_idx %arg8[%add3A_255], %gather3A_243 masked %gt3A_263 : memref<40976xf32, #tpu.memory_space<vmem>>[vector<16xi32>], vector<16xf32>, vector<16xi1>
        %mul3A_264 = arith.constant 8 : i32
        %mul3A_265 = arith.muli %scan3A_145, %mul3A_264 : i32
        %add3A_266 = arith.constant 2 : i32
        %add3A_267 = arith.addi %mul3A_265, %add3A_266 : i32
        %mul3A_268 = arith.constant 16 : i32
        %mul3A_269 = arith.muli %add3A_267, %mul3A_268 : i32
        %get3A_270 = arith.constant 0 : i32
        %get3A_271 = arith.index_cast %select_n3A_104 : i32 to index
        %get3A_272 = arith.index_cast %get3A_270 : i32 to index
        %get3A_273 = arith.index_cast %mul3A_269 : i32 to index
        %get3A_274 = tpu.vector_load %arg9[%get3A_271, %get3A_272, %get3A_273] {strides = array<i32>} : memref<2x2x1280xi32, #tpu.memory_space<vmem>>, vector<16xi32>,
        %mul3A_275 = arith.constant 16 : i32
        %mul3A_276 = arith.muli %add3A_267, %mul3A_275 : i32
        %get3A_277 = arith.constant 1 : i32
        %get3A_278 = arith.index_cast %select_n3A_104 : i32 to index
        %get3A_279 = arith.index_cast %get3A_277 : i32 to index
        %get3A_280 = arith.index_cast %mul3A_276 : i32 to index
        %get3A_281 = tpu.vector_load %arg9[%get3A_278, %get3A_279, %get3A_280] {strides = array<i32>} : memref<2x2x1280xi32, #tpu.memory_space<vmem>>, vector<16xi32>,
        %mul3A_282 = arith.constant 4 : i32
        %mul3A_283 = vector.broadcast %mul3A_282 : i32 to vector<16xi32>
        %mul3A_284 = arith.muli %get3A_274, %mul3A_283 : vector<16xi32>
        %mul3A_285 = arith.constant 4 : i32
        %mul3A_286 = vector.broadcast %mul3A_285 : i32 to vector<16xi32>
        %mul3A_287 = arith.muli %get3A_281, %mul3A_286 : vector<16xi32>
        %add3A_288 = arith.constant 0 : i32
        %add3A_289 = vector.broadcast %add3A_288 : i32 to vector<16xi32>
        %add3A_290 = arith.addi %mul3A_284, %add3A_289 : vector<16xi32>
        %gather3A_291 = tpu.vector_load_idx %arg6[%add3A_290] : memref<40976xf32, #tpu.memory_space<vmem>>[vector<16xi32>], vector<16xf32>,
        %add3A_292 = arith.constant 1 : i32
        %add3A_293 = vector.broadcast %add3A_292 : i32 to vector<16xi32>
        %add3A_294 = arith.addi %mul3A_284, %add3A_293 : vector<16xi32>
        %gather3A_295 = tpu.vector_load_idx %arg6[%add3A_294] : memref<40976xf32, #tpu.memory_space<vmem>>[vector<16xi32>], vector<16xf32>,
        %add3A_296 = arith.constant 2 : i32
        %add3A_297 = vector.broadcast %add3A_296 : i32 to vector<16xi32>
        %add3A_298 = arith.addi %mul3A_284, %add3A_297 : vector<16xi32>
        %gather3A_299 = tpu.vector_load_idx %arg6[%add3A_298] : memref<40976xf32, #tpu.memory_space<vmem>>[vector<16xi32>], vector<16xf32>,
        %add3A_300 = arith.constant 3 : i32
        %add3A_301 = vector.broadcast %add3A_300 : i32 to vector<16xi32>
        %add3A_302 = arith.addi %mul3A_284, %add3A_301 : vector<16xi32>
        %gather3A_303 = tpu.vector_load_idx %arg6[%add3A_302] : memref<40976xf32, #tpu.memory_space<vmem>>[vector<16xi32>], vector<16xf32>,
        %add3A_304 = arith.constant 0 : i32
        %add3A_305 = vector.broadcast %add3A_304 : i32 to vector<16xi32>
        %add3A_306 = arith.addi %mul3A_287, %add3A_305 : vector<16xi32>
        %add3A_307 = arith.constant 1 : i32
        %add3A_308 = vector.broadcast %add3A_307 : i32 to vector<16xi32>
        %add3A_309 = arith.addi %mul3A_287, %add3A_308 : vector<16xi32>
        %add3A_310 = arith.constant 2 : i32
        %add3A_311 = vector.broadcast %add3A_310 : i32 to vector<16xi32>
        %add3A_312 = arith.addi %mul3A_287, %add3A_311 : vector<16xi32>
        %add3A_313 = arith.constant 3 : i32
        %add3A_314 = vector.broadcast %add3A_313 : i32 to vector<16xi32>
        %add3A_315 = arith.addi %mul3A_287, %add3A_314 : vector<16xi32>
        %gather3A_316 = tpu.vector_load_idx %arg7[%add3A_306] : memref<40976xf32, #tpu.memory_space<vmem>>[vector<16xi32>], vector<16xf32>,
        %gt3A_317 = arith.cmpf ogt, %gather3A_291, %gather3A_316 : vector<16xf32>
        tpu.vector_store_idx %arg7[%add3A_306], %gather3A_291 masked %gt3A_317 : memref<40976xf32, #tpu.memory_space<vmem>>[vector<16xi32>], vector<16xf32>, vector<16xi1>
        %gather3A_318 = tpu.vector_load_idx %arg7[%add3A_309] : memref<40976xf32, #tpu.memory_space<vmem>>[vector<16xi32>], vector<16xf32>,
        %gt3A_319 = arith.cmpf ogt, %gather3A_295, %gather3A_318 : vector<16xf32>
        tpu.vector_store_idx %arg7[%add3A_309], %gather3A_295 masked %gt3A_319 : memref<40976xf32, #tpu.memory_space<vmem>>[vector<16xi32>], vector<16xf32>, vector<16xi1>
        %gather3A_320 = tpu.vector_load_idx %arg7[%add3A_312] : memref<40976xf32, #tpu.memory_space<vmem>>[vector<16xi32>], vector<16xf32>,
        %gt3A_321 = arith.cmpf ogt, %gather3A_299, %gather3A_320 : vector<16xf32>
        tpu.vector_store_idx %arg7[%add3A_312], %gather3A_299 masked %gt3A_321 : memref<40976xf32, #tpu.memory_space<vmem>>[vector<16xi32>], vector<16xf32>, vector<16xi1>
        %gather3A_322 = tpu.vector_load_idx %arg7[%add3A_315] : memref<40976xf32, #tpu.memory_space<vmem>>[vector<16xi32>], vector<16xf32>,
        %gt3A_323 = arith.cmpf ogt, %gather3A_303, %gather3A_322 : vector<16xf32>
        tpu.vector_store_idx %arg7[%add3A_315], %gather3A_303 masked %gt3A_323 : memref<40976xf32, #tpu.memory_space<vmem>>[vector<16xi32>], vector<16xf32>, vector<16xi1>
        %mul3A_324 = arith.constant 8 : i32
        %mul3A_325 = arith.muli %scan3A_145, %mul3A_324 : i32
        %add3A_326 = arith.constant 3 : i32
        %add3A_327 = arith.addi %mul3A_325, %add3A_326 : i32
        %mul3A_328 = arith.constant 16 : i32
        %mul3A_329 = arith.muli %add3A_327, %mul3A_328 : i32
        %get3A_330 = arith.constant 0 : i32
        %get3A_331 = arith.index_cast %select_n3A_104 : i32 to index
        %get3A_332 = arith.index_cast %get3A_330 : i32 to index
        %get3A_333 = arith.index_cast %mul3A_329 : i32 to index
        %get3A_334 = tpu.vector_load %arg9[%get3A_331, %get3A_332, %get3A_333] {strides = array<i32>} : memref<2x2x1280xi32, #tpu.memory_space<vmem>>, vector<16xi32>,
        %mul3A_335 = arith.constant 16 : i32
        %mul3A_336 = arith.muli %add3A_327, %mul3A_335 : i32
        %get3A_337 = arith.constant 1 : i32
        %get3A_338 = arith.index_cast %select_n3A_104 : i32 to index
        %get3A_339 = arith.index_cast %get3A_337 : i32 to index
        %get3A_340 = arith.index_cast %mul3A_336 : i32 to index
        %get3A_341 = tpu.vector_load %arg9[%get3A_338, %get3A_339, %get3A_340] {strides = array<i32>} : memref<2x2x1280xi32, #tpu.memory_space<vmem>>, vector<16xi32>,
        %mul3A_342 = arith.constant 4 : i32
        %mul3A_343 = vector.broadcast %mul3A_342 : i32 to vector<16xi32>
        %mul3A_344 = arith.muli %get3A_334, %mul3A_343 : vector<16xi32>
        %mul3A_345 = arith.constant 4 : i32
        %mul3A_346 = vector.broadcast %mul3A_345 : i32 to vector<16xi32>
        %mul3A_347 = arith.muli %get3A_341, %mul3A_346 : vector<16xi32>
        %add3A_348 = arith.constant 0 : i32
        %add3A_349 = vector.broadcast %add3A_348 : i32 to vector<16xi32>
        %add3A_350 = arith.addi %mul3A_344, %add3A_349 : vector<16xi32>
        %gather3A_351 = tpu.vector_load_idx %arg6[%add3A_350] : memref<40976xf32, #tpu.memory_space<vmem>>[vector<16xi32>], vector<16xf32>,
        %add3A_352 = arith.constant 1 : i32
        %add3A_353 = vector.broadcast %add3A_352 : i32 to vector<16xi32>
        %add3A_354 = arith.addi %mul3A_344, %add3A_353 : vector<16xi32>
        %gather3A_355 = tpu.vector_load_idx %arg6[%add3A_354] : memref<40976xf32, #tpu.memory_space<vmem>>[vector<16xi32>], vector<16xf32>,
        %add3A_356 = arith.constant 2 : i32
        %add3A_357 = vector.broadcast %add3A_356 : i32 to vector<16xi32>
        %add3A_358 = arith.addi %mul3A_344, %add3A_357 : vector<16xi32>
        %gather3A_359 = tpu.vector_load_idx %arg6[%add3A_358] : memref<40976xf32, #tpu.memory_space<vmem>>[vector<16xi32>], vector<16xf32>,
        %add3A_360 = arith.constant 3 : i32
        %add3A_361 = vector.broadcast %add3A_360 : i32 to vector<16xi32>
        %add3A_362 = arith.addi %mul3A_344, %add3A_361 : vector<16xi32>
        %gather3A_363 = tpu.vector_load_idx %arg6[%add3A_362] : memref<40976xf32, #tpu.memory_space<vmem>>[vector<16xi32>], vector<16xf32>,
        %add3A_364 = arith.constant 0 : i32
        %add3A_365 = vector.broadcast %add3A_364 : i32 to vector<16xi32>
        %add3A_366 = arith.addi %mul3A_347, %add3A_365 : vector<16xi32>
        %add3A_367 = arith.constant 1 : i32
        %add3A_368 = vector.broadcast %add3A_367 : i32 to vector<16xi32>
        %add3A_369 = arith.addi %mul3A_347, %add3A_368 : vector<16xi32>
        %add3A_370 = arith.constant 2 : i32
        %add3A_371 = vector.broadcast %add3A_370 : i32 to vector<16xi32>
        %add3A_372 = arith.addi %mul3A_347, %add3A_371 : vector<16xi32>
        %add3A_373 = arith.constant 3 : i32
        %add3A_374 = vector.broadcast %add3A_373 : i32 to vector<16xi32>
        %add3A_375 = arith.addi %mul3A_347, %add3A_374 : vector<16xi32>
        %gather3A_376 = tpu.vector_load_idx %arg8[%add3A_366] : memref<40976xf32, #tpu.memory_space<vmem>>[vector<16xi32>], vector<16xf32>,
        %gt3A_377 = arith.cmpf ogt, %gather3A_351, %gather3A_376 : vector<16xf32>
        tpu.vector_store_idx %arg8[%add3A_366], %gather3A_351 masked %gt3A_377 : memref<40976xf32, #tpu.memory_space<vmem>>[vector<16xi32>], vector<16xf32>, vector<16xi1>
        %gather3A_378 = tpu.vector_load_idx %arg8[%add3A_369] : memref<40976xf32, #tpu.memory_space<vmem>>[vector<16xi32>], vector<16xf32>,
        %gt3A_379 = arith.cmpf ogt, %gather3A_355, %gather3A_378 : vector<16xf32>
        tpu.vector_store_idx %arg8[%add3A_369], %gather3A_355 masked %gt3A_379 : memref<40976xf32, #tpu.memory_space<vmem>>[vector<16xi32>], vector<16xf32>, vector<16xi1>
        %gather3A_380 = tpu.vector_load_idx %arg8[%add3A_372] : memref<40976xf32, #tpu.memory_space<vmem>>[vector<16xi32>], vector<16xf32>,
        %gt3A_381 = arith.cmpf ogt, %gather3A_359, %gather3A_380 : vector<16xf32>
        tpu.vector_store_idx %arg8[%add3A_372], %gather3A_359 masked %gt3A_381 : memref<40976xf32, #tpu.memory_space<vmem>>[vector<16xi32>], vector<16xf32>, vector<16xi1>
        %gather3A_382 = tpu.vector_load_idx %arg8[%add3A_375] : memref<40976xf32, #tpu.memory_space<vmem>>[vector<16xi32>], vector<16xf32>,
        %gt3A_383 = arith.cmpf ogt, %gather3A_363, %gather3A_382 : vector<16xf32>
        tpu.vector_store_idx %arg8[%add3A_375], %gather3A_363 masked %gt3A_383 : memref<40976xf32, #tpu.memory_space<vmem>>[vector<16xi32>], vector<16xf32>, vector<16xi1>
        %mul3A_384 = arith.constant 8 : i32
        %mul3A_385 = arith.muli %scan3A_145, %mul3A_384 : i32
        %add3A_386 = arith.constant 4 : i32
        %add3A_387 = arith.addi %mul3A_385, %add3A_386 : i32
        %mul3A_388 = arith.constant 16 : i32
        %mul3A_389 = arith.muli %add3A_387, %mul3A_388 : i32
        %get3A_390 = arith.constant 0 : i32
        %get3A_391 = arith.index_cast %select_n3A_104 : i32 to index
        %get3A_392 = arith.index_cast %get3A_390 : i32 to index
        %get3A_393 = arith.index_cast %mul3A_389 : i32 to index
        %get3A_394 = tpu.vector_load %arg9[%get3A_391, %get3A_392, %get3A_393] {strides = array<i32>} : memref<2x2x1280xi32, #tpu.memory_space<vmem>>, vector<16xi32>,
        %mul3A_395 = arith.constant 16 : i32
        %mul3A_396 = arith.muli %add3A_387, %mul3A_395 : i32
        %get3A_397 = arith.constant 1 : i32
        %get3A_398 = arith.index_cast %select_n3A_104 : i32 to index
        %get3A_399 = arith.index_cast %get3A_397 : i32 to index
        %get3A_400 = arith.index_cast %mul3A_396 : i32 to index
        %get3A_401 = tpu.vector_load %arg9[%get3A_398, %get3A_399, %get3A_400] {strides = array<i32>} : memref<2x2x1280xi32, #tpu.memory_space<vmem>>, vector<16xi32>,
        %mul3A_402 = arith.constant 4 : i32
        %mul3A_403 = vector.broadcast %mul3A_402 : i32 to vector<16xi32>
        %mul3A_404 = arith.muli %get3A_394, %mul3A_403 : vector<16xi32>
        %mul3A_405 = arith.constant 4 : i32
        %mul3A_406 = vector.broadcast %mul3A_405 : i32 to vector<16xi32>
        %mul3A_407 = arith.muli %get3A_401, %mul3A_406 : vector<16xi32>
        %add3A_408 = arith.constant 0 : i32
        %add3A_409 = vector.broadcast %add3A_408 : i32 to vector<16xi32>
        %add3A_410 = arith.addi %mul3A_404, %add3A_409 : vector<16xi32>
        %gather3A_411 = tpu.vector_load_idx %arg6[%add3A_410] : memref<40976xf32, #tpu.memory_space<vmem>>[vector<16xi32>], vector<16xf32>,
        %add3A_412 = arith.constant 1 : i32
        %add3A_413 = vector.broadcast %add3A_412 : i32 to vector<16xi32>
        %add3A_414 = arith.addi %mul3A_404, %add3A_413 : vector<16xi32>
        %gather3A_415 = tpu.vector_load_idx %arg6[%add3A_414] : memref<40976xf32, #tpu.memory_space<vmem>>[vector<16xi32>], vector<16xf32>,
        %add3A_416 = arith.constant 2 : i32
        %add3A_417 = vector.broadcast %add3A_416 : i32 to vector<16xi32>
        %add3A_418 = arith.addi %mul3A_404, %add3A_417 : vector<16xi32>
        %gather3A_419 = tpu.vector_load_idx %arg6[%add3A_418] : memref<40976xf32, #tpu.memory_space<vmem>>[vector<16xi32>], vector<16xf32>,
        %add3A_420 = arith.constant 3 : i32
        %add3A_421 = vector.broadcast %add3A_420 : i32 to vector<16xi32>
        %add3A_422 = arith.addi %mul3A_404, %add3A_421 : vector<16xi32>
        %gather3A_423 = tpu.vector_load_idx %arg6[%add3A_422] : memref<40976xf32, #tpu.memory_space<vmem>>[vector<16xi32>], vector<16xf32>,
        %add3A_424 = arith.constant 0 : i32
        %add3A_425 = vector.broadcast %add3A_424 : i32 to vector<16xi32>
        %add3A_426 = arith.addi %mul3A_407, %add3A_425 : vector<16xi32>
        %add3A_427 = arith.constant 1 : i32
        %add3A_428 = vector.broadcast %add3A_427 : i32 to vector<16xi32>
        %add3A_429 = arith.addi %mul3A_407, %add3A_428 : vector<16xi32>
        %add3A_430 = arith.constant 2 : i32
        %add3A_431 = vector.broadcast %add3A_430 : i32 to vector<16xi32>
        %add3A_432 = arith.addi %mul3A_407, %add3A_431 : vector<16xi32>
        %add3A_433 = arith.constant 3 : i32
        %add3A_434 = vector.broadcast %add3A_433 : i32 to vector<16xi32>
        %add3A_435 = arith.addi %mul3A_407, %add3A_434 : vector<16xi32>
        %gather3A_436 = tpu.vector_load_idx %arg7[%add3A_426] : memref<40976xf32, #tpu.memory_space<vmem>>[vector<16xi32>], vector<16xf32>,
        %gt3A_437 = arith.cmpf ogt, %gather3A_411, %gather3A_436 : vector<16xf32>
        tpu.vector_store_idx %arg7[%add3A_426], %gather3A_411 masked %gt3A_437 : memref<40976xf32, #tpu.memory_space<vmem>>[vector<16xi32>], vector<16xf32>, vector<16xi1>
        %gather3A_438 = tpu.vector_load_idx %arg7[%add3A_429] : memref<40976xf32, #tpu.memory_space<vmem>>[vector<16xi32>], vector<16xf32>,
        %gt3A_439 = arith.cmpf ogt, %gather3A_415, %gather3A_438 : vector<16xf32>
        tpu.vector_store_idx %arg7[%add3A_429], %gather3A_415 masked %gt3A_439 : memref<40976xf32, #tpu.memory_space<vmem>>[vector<16xi32>], vector<16xf32>, vector<16xi1>
        %gather3A_440 = tpu.vector_load_idx %arg7[%add3A_432] : memref<40976xf32, #tpu.memory_space<vmem>>[vector<16xi32>], vector<16xf32>,
        %gt3A_441 = arith.cmpf ogt, %gather3A_419, %gather3A_440 : vector<16xf32>
        tpu.vector_store_idx %arg7[%add3A_432], %gather3A_419 masked %gt3A_441 : memref<40976xf32, #tpu.memory_space<vmem>>[vector<16xi32>], vector<16xf32>, vector<16xi1>
        %gather3A_442 = tpu.vector_load_idx %arg7[%add3A_435] : memref<40976xf32, #tpu.memory_space<vmem>>[vector<16xi32>], vector<16xf32>,
        %gt3A_443 = arith.cmpf ogt, %gather3A_423, %gather3A_442 : vector<16xf32>
        tpu.vector_store_idx %arg7[%add3A_435], %gather3A_423 masked %gt3A_443 : memref<40976xf32, #tpu.memory_space<vmem>>[vector<16xi32>], vector<16xf32>, vector<16xi1>
        %mul3A_444 = arith.constant 8 : i32
        %mul3A_445 = arith.muli %scan3A_145, %mul3A_444 : i32
        %add3A_446 = arith.constant 5 : i32
        %add3A_447 = arith.addi %mul3A_445, %add3A_446 : i32
        %mul3A_448 = arith.constant 16 : i32
        %mul3A_449 = arith.muli %add3A_447, %mul3A_448 : i32
        %get3A_450 = arith.constant 0 : i32
        %get3A_451 = arith.index_cast %select_n3A_104 : i32 to index
        %get3A_452 = arith.index_cast %get3A_450 : i32 to index
        %get3A_453 = arith.index_cast %mul3A_449 : i32 to index
        %get3A_454 = tpu.vector_load %arg9[%get3A_451, %get3A_452, %get3A_453] {strides = array<i32>} : memref<2x2x1280xi32, #tpu.memory_space<vmem>>, vector<16xi32>,
        %mul3A_455 = arith.constant 16 : i32
        %mul3A_456 = arith.muli %add3A_447, %mul3A_455 : i32
        %get3A_457 = arith.constant 1 : i32
        %get3A_458 = arith.index_cast %select_n3A_104 : i32 to index
        %get3A_459 = arith.index_cast %get3A_457 : i32 to index
        %get3A_460 = arith.index_cast %mul3A_456 : i32 to index
        %get3A_461 = tpu.vector_load %arg9[%get3A_458, %get3A_459, %get3A_460] {strides = array<i32>} : memref<2x2x1280xi32, #tpu.memory_space<vmem>>, vector<16xi32>,
        %mul3A_462 = arith.constant 4 : i32
        %mul3A_463 = vector.broadcast %mul3A_462 : i32 to vector<16xi32>
        %mul3A_464 = arith.muli %get3A_454, %mul3A_463 : vector<16xi32>
        %mul3A_465 = arith.constant 4 : i32
        %mul3A_466 = vector.broadcast %mul3A_465 : i32 to vector<16xi32>
        %mul3A_467 = arith.muli %get3A_461, %mul3A_466 : vector<16xi32>
        %add3A_468 = arith.constant 0 : i32
        %add3A_469 = vector.broadcast %add3A_468 : i32 to vector<16xi32>
        %add3A_470 = arith.addi %mul3A_464, %add3A_469 : vector<16xi32>
        %gather3A_471 = tpu.vector_load_idx %arg6[%add3A_470] : memref<40976xf32, #tpu.memory_space<vmem>>[vector<16xi32>], vector<16xf32>,
        %add3A_472 = arith.constant 1 : i32
        %add3A_473 = vector.broadcast %add3A_472 : i32 to vector<16xi32>
        %add3A_474 = arith.addi %mul3A_464, %add3A_473 : vector<16xi32>
        %gather3A_475 = tpu.vector_load_idx %arg6[%add3A_474] : memref<40976xf32, #tpu.memory_space<vmem>>[vector<16xi32>], vector<16xf32>,
        %add3A_476 = arith.constant 2 : i32
        %add3A_477 = vector.broadcast %add3A_476 : i32 to vector<16xi32>
        %add3A_478 = arith.addi %mul3A_464, %add3A_477 : vector<16xi32>
        %gather3A_479 = tpu.vector_load_idx %arg6[%add3A_478] : memref<40976xf32, #tpu.memory_space<vmem>>[vector<16xi32>], vector<16xf32>,
        %add3A_480 = arith.constant 3 : i32
        %add3A_481 = vector.broadcast %add3A_480 : i32 to vector<16xi32>
        %add3A_482 = arith.addi %mul3A_464, %add3A_481 : vector<16xi32>
        %gather3A_483 = tpu.vector_load_idx %arg6[%add3A_482] : memref<40976xf32, #tpu.memory_space<vmem>>[vector<16xi32>], vector<16xf32>,
        %add3A_484 = arith.constant 0 : i32
        %add3A_485 = vector.broadcast %add3A_484 : i32 to vector<16xi32>
        %add3A_486 = arith.addi %mul3A_467, %add3A_485 : vector<16xi32>
        %add3A_487 = arith.constant 1 : i32
        %add3A_488 = vector.broadcast %add3A_487 : i32 to vector<16xi32>
        %add3A_489 = arith.addi %mul3A_467, %add3A_488 : vector<16xi32>
        %add3A_490 = arith.constant 2 : i32
        %add3A_491 = vector.broadcast %add3A_490 : i32 to vector<16xi32>
        %add3A_492 = arith.addi %mul3A_467, %add3A_491 : vector<16xi32>
        %add3A_493 = arith.constant 3 : i32
        %add3A_494 = vector.broadcast %add3A_493 : i32 to vector<16xi32>
        %add3A_495 = arith.addi %mul3A_467, %add3A_494 : vector<16xi32>
        %gather3A_496 = tpu.vector_load_idx %arg8[%add3A_486] : memref<40976xf32, #tpu.memory_space<vmem>>[vector<16xi32>], vector<16xf32>,
        %gt3A_497 = arith.cmpf ogt, %gather3A_471, %gather3A_496 : vector<16xf32>
        tpu.vector_store_idx %arg8[%add3A_486], %gather3A_471 masked %gt3A_497 : memref<40976xf32, #tpu.memory_space<vmem>>[vector<16xi32>], vector<16xf32>, vector<16xi1>
        %gather3A_498 = tpu.vector_load_idx %arg8[%add3A_489] : memref<40976xf32, #tpu.memory_space<vmem>>[vector<16xi32>], vector<16xf32>,
        %gt3A_499 = arith.cmpf ogt, %gather3A_475, %gather3A_498 : vector<16xf32>
        tpu.vector_store_idx %arg8[%add3A_489], %gather3A_475 masked %gt3A_499 : memref<40976xf32, #tpu.memory_space<vmem>>[vector<16xi32>], vector<16xf32>, vector<16xi1>
        %gather3A_500 = tpu.vector_load_idx %arg8[%add3A_492] : memref<40976xf32, #tpu.memory_space<vmem>>[vector<16xi32>], vector<16xf32>,
        %gt3A_501 = arith.cmpf ogt, %gather3A_479, %gather3A_500 : vector<16xf32>
        tpu.vector_store_idx %arg8[%add3A_492], %gather3A_479 masked %gt3A_501 : memref<40976xf32, #tpu.memory_space<vmem>>[vector<16xi32>], vector<16xf32>, vector<16xi1>
        %gather3A_502 = tpu.vector_load_idx %arg8[%add3A_495] : memref<40976xf32, #tpu.memory_space<vmem>>[vector<16xi32>], vector<16xf32>,
        %gt3A_503 = arith.cmpf ogt, %gather3A_483, %gather3A_502 : vector<16xf32>
        tpu.vector_store_idx %arg8[%add3A_495], %gather3A_483 masked %gt3A_503 : memref<40976xf32, #tpu.memory_space<vmem>>[vector<16xi32>], vector<16xf32>, vector<16xi1>
        %mul3A_504 = arith.constant 8 : i32
        %mul3A_505 = arith.muli %scan3A_145, %mul3A_504 : i32
        %add3A_506 = arith.constant 6 : i32
        %add3A_507 = arith.addi %mul3A_505, %add3A_506 : i32
        %mul3A_508 = arith.constant 16 : i32
        %mul3A_509 = arith.muli %add3A_507, %mul3A_508 : i32
        %get3A_510 = arith.constant 0 : i32
        %get3A_511 = arith.index_cast %select_n3A_104 : i32 to index
        %get3A_512 = arith.index_cast %get3A_510 : i32 to index
        %get3A_513 = arith.index_cast %mul3A_509 : i32 to index
        %get3A_514 = tpu.vector_load %arg9[%get3A_511, %get3A_512, %get3A_513] {strides = array<i32>} : memref<2x2x1280xi32, #tpu.memory_space<vmem>>, vector<16xi32>,
        %mul3A_515 = arith.constant 16 : i32
        %mul3A_516 = arith.muli %add3A_507, %mul3A_515 : i32
        %get3A_517 = arith.constant 1 : i32
        %get3A_518 = arith.index_cast %select_n3A_104 : i32 to index
        %get3A_519 = arith.index_cast %get3A_517 : i32 to index
        %get3A_520 = arith.index_cast %mul3A_516 : i32 to index
        %get3A_521 = tpu.vector_load %arg9[%get3A_518, %get3A_519, %get3A_520] {strides = array<i32>} : memref<2x2x1280xi32, #tpu.memory_space<vmem>>, vector<16xi32>,
        %mul3A_522 = arith.constant 4 : i32
        %mul3A_523 = vector.broadcast %mul3A_522 : i32 to vector<16xi32>
        %mul3A_524 = arith.muli %get3A_514, %mul3A_523 : vector<16xi32>
        %mul3A_525 = arith.constant 4 : i32
        %mul3A_526 = vector.broadcast %mul3A_525 : i32 to vector<16xi32>
        %mul3A_527 = arith.muli %get3A_521, %mul3A_526 : vector<16xi32>
        %add3A_528 = arith.constant 0 : i32
        %add3A_529 = vector.broadcast %add3A_528 : i32 to vector<16xi32>
        %add3A_530 = arith.addi %mul3A_524, %add3A_529 : vector<16xi32>
        %gather3A_531 = tpu.vector_load_idx %arg6[%add3A_530] : memref<40976xf32, #tpu.memory_space<vmem>>[vector<16xi32>], vector<16xf32>,
        %add3A_532 = arith.constant 1 : i32
        %add3A_533 = vector.broadcast %add3A_532 : i32 to vector<16xi32>
        %add3A_534 = arith.addi %mul3A_524, %add3A_533 : vector<16xi32>
        %gather3A_535 = tpu.vector_load_idx %arg6[%add3A_534] : memref<40976xf32, #tpu.memory_space<vmem>>[vector<16xi32>], vector<16xf32>,
        %add3A_536 = arith.constant 2 : i32
        %add3A_537 = vector.broadcast %add3A_536 : i32 to vector<16xi32>
        %add3A_538 = arith.addi %mul3A_524, %add3A_537 : vector<16xi32>
        %gather3A_539 = tpu.vector_load_idx %arg6[%add3A_538] : memref<40976xf32, #tpu.memory_space<vmem>>[vector<16xi32>], vector<16xf32>,
        %add3A_540 = arith.constant 3 : i32
        %add3A_541 = vector.broadcast %add3A_540 : i32 to vector<16xi32>
        %add3A_542 = arith.addi %mul3A_524, %add3A_541 : vector<16xi32>
        %gather3A_543 = tpu.vector_load_idx %arg6[%add3A_542] : memref<40976xf32, #tpu.memory_space<vmem>>[vector<16xi32>], vector<16xf32>,
        %add3A_544 = arith.constant 0 : i32
        %add3A_545 = vector.broadcast %add3A_544 : i32 to vector<16xi32>
        %add3A_546 = arith.addi %mul3A_527, %add3A_545 : vector<16xi32>
        %add3A_547 = arith.constant 1 : i32
        %add3A_548 = vector.broadcast %add3A_547 : i32 to vector<16xi32>
        %add3A_549 = arith.addi %mul3A_527, %add3A_548 : vector<16xi32>
        %add3A_550 = arith.constant 2 : i32
        %add3A_551 = vector.broadcast %add3A_550 : i32 to vector<16xi32>
        %add3A_552 = arith.addi %mul3A_527, %add3A_551 : vector<16xi32>
        %add3A_553 = arith.constant 3 : i32
        %add3A_554 = vector.broadcast %add3A_553 : i32 to vector<16xi32>
        %add3A_555 = arith.addi %mul3A_527, %add3A_554 : vector<16xi32>
        %gather3A_556 = tpu.vector_load_idx %arg7[%add3A_546] : memref<40976xf32, #tpu.memory_space<vmem>>[vector<16xi32>], vector<16xf32>,
        %gt3A_557 = arith.cmpf ogt, %gather3A_531, %gather3A_556 : vector<16xf32>
        tpu.vector_store_idx %arg7[%add3A_546], %gather3A_531 masked %gt3A_557 : memref<40976xf32, #tpu.memory_space<vmem>>[vector<16xi32>], vector<16xf32>, vector<16xi1>
        %gather3A_558 = tpu.vector_load_idx %arg7[%add3A_549] : memref<40976xf32, #tpu.memory_space<vmem>>[vector<16xi32>], vector<16xf32>,
        %gt3A_559 = arith.cmpf ogt, %gather3A_535, %gather3A_558 : vector<16xf32>
        tpu.vector_store_idx %arg7[%add3A_549], %gather3A_535 masked %gt3A_559 : memref<40976xf32, #tpu.memory_space<vmem>>[vector<16xi32>], vector<16xf32>, vector<16xi1>
        %gather3A_560 = tpu.vector_load_idx %arg7[%add3A_552] : memref<40976xf32, #tpu.memory_space<vmem>>[vector<16xi32>], vector<16xf32>,
        %gt3A_561 = arith.cmpf ogt, %gather3A_539, %gather3A_560 : vector<16xf32>
        tpu.vector_store_idx %arg7[%add3A_552], %gather3A_539 masked %gt3A_561 : memref<40976xf32, #tpu.memory_space<vmem>>[vector<16xi32>], vector<16xf32>, vector<16xi1>
        %gather3A_562 = tpu.vector_load_idx %arg7[%add3A_555] : memref<40976xf32, #tpu.memory_space<vmem>>[vector<16xi32>], vector<16xf32>,
        %gt3A_563 = arith.cmpf ogt, %gather3A_543, %gather3A_562 : vector<16xf32>
        tpu.vector_store_idx %arg7[%add3A_555], %gather3A_543 masked %gt3A_563 : memref<40976xf32, #tpu.memory_space<vmem>>[vector<16xi32>], vector<16xf32>, vector<16xi1>
        %mul3A_564 = arith.constant 8 : i32
        %mul3A_565 = arith.muli %scan3A_145, %mul3A_564 : i32
        %add3A_566 = arith.constant 7 : i32
        %add3A_567 = arith.addi %mul3A_565, %add3A_566 : i32
        %mul3A_568 = arith.constant 16 : i32
        %mul3A_569 = arith.muli %add3A_567, %mul3A_568 : i32
        %get3A_570 = arith.constant 0 : i32
        %get3A_571 = arith.index_cast %select_n3A_104 : i32 to index
        %get3A_572 = arith.index_cast %get3A_570 : i32 to index
        %get3A_573 = arith.index_cast %mul3A_569 : i32 to index
        %get3A_574 = tpu.vector_load %arg9[%get3A_571, %get3A_572, %get3A_573] {strides = array<i32>} : memref<2x2x1280xi32, #tpu.memory_space<vmem>>, vector<16xi32>,
        %mul3A_575 = arith.constant 16 : i32
        %mul3A_576 = arith.muli %add3A_567, %mul3A_575 : i32
        %get3A_577 = arith.constant 1 : i32
        %get3A_578 = arith.index_cast %select_n3A_104 : i32 to index
        %get3A_579 = arith.index_cast %get3A_577 : i32 to index
        %get3A_580 = arith.index_cast %mul3A_576 : i32 to index
        %get3A_581 = tpu.vector_load %arg9[%get3A_578, %get3A_579, %get3A_580] {strides = array<i32>} : memref<2x2x1280xi32, #tpu.memory_space<vmem>>, vector<16xi32>,
        %mul3A_582 = arith.constant 4 : i32
        %mul3A_583 = vector.broadcast %mul3A_582 : i32 to vector<16xi32>
        %mul3A_584 = arith.muli %get3A_574, %mul3A_583 : vector<16xi32>
        %mul3A_585 = arith.constant 4 : i32
        %mul3A_586 = vector.broadcast %mul3A_585 : i32 to vector<16xi32>
        %mul3A_587 = arith.muli %get3A_581, %mul3A_586 : vector<16xi32>
        %add3A_588 = arith.constant 0 : i32
        %add3A_589 = vector.broadcast %add3A_588 : i32 to vector<16xi32>
        %add3A_590 = arith.addi %mul3A_584, %add3A_589 : vector<16xi32>
        %gather3A_591 = tpu.vector_load_idx %arg6[%add3A_590] : memref<40976xf32, #tpu.memory_space<vmem>>[vector<16xi32>], vector<16xf32>,
        %add3A_592 = arith.constant 1 : i32
        %add3A_593 = vector.broadcast %add3A_592 : i32 to vector<16xi32>
        %add3A_594 = arith.addi %mul3A_584, %add3A_593 : vector<16xi32>
        %gather3A_595 = tpu.vector_load_idx %arg6[%add3A_594] : memref<40976xf32, #tpu.memory_space<vmem>>[vector<16xi32>], vector<16xf32>,
        %add3A_596 = arith.constant 2 : i32
        %add3A_597 = vector.broadcast %add3A_596 : i32 to vector<16xi32>
        %add3A_598 = arith.addi %mul3A_584, %add3A_597 : vector<16xi32>
        %gather3A_599 = tpu.vector_load_idx %arg6[%add3A_598] : memref<40976xf32, #tpu.memory_space<vmem>>[vector<16xi32>], vector<16xf32>,
        %add3A_600 = arith.constant 3 : i32
        %add3A_601 = vector.broadcast %add3A_600 : i32 to vector<16xi32>
        %add3A_602 = arith.addi %mul3A_584, %add3A_601 : vector<16xi32>
        %gather3A_603 = tpu.vector_load_idx %arg6[%add3A_602] : memref<40976xf32, #tpu.memory_space<vmem>>[vector<16xi32>], vector<16xf32>,
        %add3A_604 = arith.constant 0 : i32
        %add3A_605 = vector.broadcast %add3A_604 : i32 to vector<16xi32>
        %add3A_606 = arith.addi %mul3A_587, %add3A_605 : vector<16xi32>
        %add3A_607 = arith.constant 1 : i32
        %add3A_608 = vector.broadcast %add3A_607 : i32 to vector<16xi32>
        %add3A_609 = arith.addi %mul3A_587, %add3A_608 : vector<16xi32>
        %add3A_610 = arith.constant 2 : i32
        %add3A_611 = vector.broadcast %add3A_610 : i32 to vector<16xi32>
        %add3A_612 = arith.addi %mul3A_587, %add3A_611 : vector<16xi32>
        %add3A_613 = arith.constant 3 : i32
        %add3A_614 = vector.broadcast %add3A_613 : i32 to vector<16xi32>
        %add3A_615 = arith.addi %mul3A_587, %add3A_614 : vector<16xi32>
        %gather3A_616 = tpu.vector_load_idx %arg8[%add3A_606] : memref<40976xf32, #tpu.memory_space<vmem>>[vector<16xi32>], vector<16xf32>,
        %gt3A_617 = arith.cmpf ogt, %gather3A_591, %gather3A_616 : vector<16xf32>
        tpu.vector_store_idx %arg8[%add3A_606], %gather3A_591 masked %gt3A_617 : memref<40976xf32, #tpu.memory_space<vmem>>[vector<16xi32>], vector<16xf32>, vector<16xi1>
        %gather3A_618 = tpu.vector_load_idx %arg8[%add3A_609] : memref<40976xf32, #tpu.memory_space<vmem>>[vector<16xi32>], vector<16xf32>,
        %gt3A_619 = arith.cmpf ogt, %gather3A_595, %gather3A_618 : vector<16xf32>
        tpu.vector_store_idx %arg8[%add3A_609], %gather3A_595 masked %gt3A_619 : memref<40976xf32, #tpu.memory_space<vmem>>[vector<16xi32>], vector<16xf32>, vector<16xi1>
        %gather3A_620 = tpu.vector_load_idx %arg8[%add3A_612] : memref<40976xf32, #tpu.memory_space<vmem>>[vector<16xi32>], vector<16xf32>,
        %gt3A_621 = arith.cmpf ogt, %gather3A_599, %gather3A_620 : vector<16xf32>
        tpu.vector_store_idx %arg8[%add3A_612], %gather3A_599 masked %gt3A_621 : memref<40976xf32, #tpu.memory_space<vmem>>[vector<16xi32>], vector<16xf32>, vector<16xi1>
        %gather3A_622 = tpu.vector_load_idx %arg8[%add3A_615] : memref<40976xf32, #tpu.memory_space<vmem>>[vector<16xi32>], vector<16xf32>,
        %gt3A_623 = arith.cmpf ogt, %gather3A_603, %gather3A_622 : vector<16xf32>
        tpu.vector_store_idx %arg8[%add3A_615], %gather3A_603 masked %gt3A_623 : memref<40976xf32, #tpu.memory_space<vmem>>[vector<16xi32>], vector<16xf32>, vector<16xi1>
        %get3A_624 = arith.index_cast %select_n3A_104 : i32 to index
        %get3A_625 = arith.index_cast %scan3A_145 : i32 to index
        %get3A_626 = tpu.vector_load %arg10[%get3A_624, %get3A_625] {strides = array<i32>} : memref<2x25xi32, #tpu.memory_space<vmem>>, vector<16xi32>,
        %slice3A = vector.extract_strided_slice %get3A_626 {offsets = [0], sizes = [1], strides = [1]} : vector<16xi32> to vector<1xi32>
        %squeeze3A = vector.extract %slice3A[0] : i32 from vector<1xi32>
        %ne3A_627 = arith.constant 0 : i32
        %ne3A_628 = arith.cmpi ne, %squeeze3A, %ne3A_627 : i32
        %convert_element_type3A_629 = arith.extui %ne3A_628 : i1 to i32
        %cond3A_630 = arith.constant 0 : i32
        %cond3A_631 = arith.cmpi ne, %convert_element_type3A_629, %cond3A_630 : i32
        scf.if %cond3A_631 {
          %gather3A_633 = tpu.vector_load_idx %arg7[%add3A_187] : memref<40976xf32, #tpu.memory_space<vmem>>[vector<16xi32>], vector<16xf32>,
          %gt3A_634 = arith.cmpf ogt, %gather3A, %gather3A_633 : vector<16xf32>
          %gather3A_635 = tpu.vector_load_idx %arg7[%add3A_190] : memref<40976xf32, #tpu.memory_space<vmem>>[vector<16xi32>], vector<16xf32>,
          %gt3A_636 = arith.cmpf ogt, %gather3A_176, %gather3A_635 : vector<16xf32>
          %gather3A_637 = tpu.vector_load_idx %arg7[%add3A_193] : memref<40976xf32, #tpu.memory_space<vmem>>[vector<16xi32>], vector<16xf32>,
          %gt3A_638 = arith.cmpf ogt, %gather3A_180, %gather3A_637 : vector<16xf32>
          %gather3A_639 = tpu.vector_load_idx %arg7[%add3A_196] : memref<40976xf32, #tpu.memory_space<vmem>>[vector<16xi32>], vector<16xf32>,
          %gt3A_640 = arith.cmpf ogt, %gather3A_184, %gather3A_639 : vector<16xf32>
          %gather3A_641 = tpu.vector_load_idx %arg8[%add3A_246] : memref<40976xf32, #tpu.memory_space<vmem>>[vector<16xi32>], vector<16xf32>,
          %gt3A_642 = arith.cmpf ogt, %gather3A_231, %gather3A_641 : vector<16xf32>
          %gather3A_643 = tpu.vector_load_idx %arg8[%add3A_249] : memref<40976xf32, #tpu.memory_space<vmem>>[vector<16xi32>], vector<16xf32>,
          %gt3A_644 = arith.cmpf ogt, %gather3A_235, %gather3A_643 : vector<16xf32>
          %gather3A_645 = tpu.vector_load_idx %arg8[%add3A_252] : memref<40976xf32, #tpu.memory_space<vmem>>[vector<16xi32>], vector<16xf32>,
          %gt3A_646 = arith.cmpf ogt, %gather3A_239, %gather3A_645 : vector<16xf32>
          %gather3A_647 = tpu.vector_load_idx %arg8[%add3A_255] : memref<40976xf32, #tpu.memory_space<vmem>>[vector<16xi32>], vector<16xf32>,
          %gt3A_648 = arith.cmpf ogt, %gather3A_243, %gather3A_647 : vector<16xf32>
          %gather3A_649 = tpu.vector_load_idx %arg7[%add3A_306] : memref<40976xf32, #tpu.memory_space<vmem>>[vector<16xi32>], vector<16xf32>,
          %gt3A_650 = arith.cmpf ogt, %gather3A_291, %gather3A_649 : vector<16xf32>
          %gather3A_651 = tpu.vector_load_idx %arg7[%add3A_309] : memref<40976xf32, #tpu.memory_space<vmem>>[vector<16xi32>], vector<16xf32>,
          %gt3A_652 = arith.cmpf ogt, %gather3A_295, %gather3A_651 : vector<16xf32>
          %gather3A_653 = tpu.vector_load_idx %arg7[%add3A_312] : memref<40976xf32, #tpu.memory_space<vmem>>[vector<16xi32>], vector<16xf32>,
          %gt3A_654 = arith.cmpf ogt, %gather3A_299, %gather3A_653 : vector<16xf32>
          %gather3A_655 = tpu.vector_load_idx %arg7[%add3A_315] : memref<40976xf32, #tpu.memory_space<vmem>>[vector<16xi32>], vector<16xf32>,
          %gt3A_656 = arith.cmpf ogt, %gather3A_303, %gather3A_655 : vector<16xf32>
          %gather3A_657 = tpu.vector_load_idx %arg8[%add3A_366] : memref<40976xf32, #tpu.memory_space<vmem>>[vector<16xi32>], vector<16xf32>,
          %gt3A_658 = arith.cmpf ogt, %gather3A_351, %gather3A_657 : vector<16xf32>
          %gather3A_659 = tpu.vector_load_idx %arg8[%add3A_369] : memref<40976xf32, #tpu.memory_space<vmem>>[vector<16xi32>], vector<16xf32>,
          %gt3A_660 = arith.cmpf ogt, %gather3A_355, %gather3A_659 : vector<16xf32>
          %gather3A_661 = tpu.vector_load_idx %arg8[%add3A_372] : memref<40976xf32, #tpu.memory_space<vmem>>[vector<16xi32>], vector<16xf32>,
          %gt3A_662 = arith.cmpf ogt, %gather3A_359, %gather3A_661 : vector<16xf32>
          %gather3A_663 = tpu.vector_load_idx %arg8[%add3A_375] : memref<40976xf32, #tpu.memory_space<vmem>>[vector<16xi32>], vector<16xf32>,
          %gt3A_664 = arith.cmpf ogt, %gather3A_363, %gather3A_663 : vector<16xf32>
          %gather3A_665 = tpu.vector_load_idx %arg7[%add3A_426] : memref<40976xf32, #tpu.memory_space<vmem>>[vector<16xi32>], vector<16xf32>,
          %gt3A_666 = arith.cmpf ogt, %gather3A_411, %gather3A_665 : vector<16xf32>
          %gather3A_667 = tpu.vector_load_idx %arg7[%add3A_429] : memref<40976xf32, #tpu.memory_space<vmem>>[vector<16xi32>], vector<16xf32>,
          %gt3A_668 = arith.cmpf ogt, %gather3A_415, %gather3A_667 : vector<16xf32>
          %gather3A_669 = tpu.vector_load_idx %arg7[%add3A_432] : memref<40976xf32, #tpu.memory_space<vmem>>[vector<16xi32>], vector<16xf32>,
          %gt3A_670 = arith.cmpf ogt, %gather3A_419, %gather3A_669 : vector<16xf32>
          %gather3A_671 = tpu.vector_load_idx %arg7[%add3A_435] : memref<40976xf32, #tpu.memory_space<vmem>>[vector<16xi32>], vector<16xf32>,
          %gt3A_672 = arith.cmpf ogt, %gather3A_423, %gather3A_671 : vector<16xf32>
          %gather3A_673 = tpu.vector_load_idx %arg8[%add3A_486] : memref<40976xf32, #tpu.memory_space<vmem>>[vector<16xi32>], vector<16xf32>,
          %gt3A_674 = arith.cmpf ogt, %gather3A_471, %gather3A_673 : vector<16xf32>
          %gather3A_675 = tpu.vector_load_idx %arg8[%add3A_489] : memref<40976xf32, #tpu.memory_space<vmem>>[vector<16xi32>], vector<16xf32>,
          %gt3A_676 = arith.cmpf ogt, %gather3A_475, %gather3A_675 : vector<16xf32>
          %gather3A_677 = tpu.vector_load_idx %arg8[%add3A_492] : memref<40976xf32, #tpu.memory_space<vmem>>[vector<16xi32>], vector<16xf32>,
          %gt3A_678 = arith.cmpf ogt, %gather3A_479, %gather3A_677 : vector<16xf32>
          %gather3A_679 = tpu.vector_load_idx %arg8[%add3A_495] : memref<40976xf32, #tpu.memory_space<vmem>>[vector<16xi32>], vector<16xf32>,
          %gt3A_680 = arith.cmpf ogt, %gather3A_483, %gather3A_679 : vector<16xf32>
          %gather3A_681 = tpu.vector_load_idx %arg7[%add3A_546] : memref<40976xf32, #tpu.memory_space<vmem>>[vector<16xi32>], vector<16xf32>,
          %gt3A_682 = arith.cmpf ogt, %gather3A_531, %gather3A_681 : vector<16xf32>
          %gather3A_683 = tpu.vector_load_idx %arg7[%add3A_549] : memref<40976xf32, #tpu.memory_space<vmem>>[vector<16xi32>], vector<16xf32>,
          %gt3A_684 = arith.cmpf ogt, %gather3A_535, %gather3A_683 : vector<16xf32>
          %gather3A_685 = tpu.vector_load_idx %arg7[%add3A_552] : memref<40976xf32, #tpu.memory_space<vmem>>[vector<16xi32>], vector<16xf32>,
          %gt3A_686 = arith.cmpf ogt, %gather3A_539, %gather3A_685 : vector<16xf32>
          %gather3A_687 = tpu.vector_load_idx %arg7[%add3A_555] : memref<40976xf32, #tpu.memory_space<vmem>>[vector<16xi32>], vector<16xf32>,
          %gt3A_688 = arith.cmpf ogt, %gather3A_543, %gather3A_687 : vector<16xf32>
          %gather3A_689 = tpu.vector_load_idx %arg8[%add3A_606] : memref<40976xf32, #tpu.memory_space<vmem>>[vector<16xi32>], vector<16xf32>,
          %gt3A_690 = arith.cmpf ogt, %gather3A_591, %gather3A_689 : vector<16xf32>
          %gather3A_691 = tpu.vector_load_idx %arg8[%add3A_609] : memref<40976xf32, #tpu.memory_space<vmem>>[vector<16xi32>], vector<16xf32>,
          %gt3A_692 = arith.cmpf ogt, %gather3A_595, %gather3A_691 : vector<16xf32>
          %gather3A_693 = tpu.vector_load_idx %arg8[%add3A_612] : memref<40976xf32, #tpu.memory_space<vmem>>[vector<16xi32>], vector<16xf32>,
          %gt3A_694 = arith.cmpf ogt, %gather3A_599, %gather3A_693 : vector<16xf32>
          %gather3A_695 = tpu.vector_load_idx %arg8[%add3A_615] : memref<40976xf32, #tpu.memory_space<vmem>>[vector<16xi32>], vector<16xf32>,
          %gt3A_696 = arith.cmpf ogt, %gather3A_603, %gather3A_695 : vector<16xf32>
          %or3A = arith.ori %gt3A_634, %gt3A_636 : vector<16xi1>
          %or3A_697 = arith.ori %gt3A_638, %gt3A_640 : vector<16xi1>
          %or3A_698 = arith.ori %gt3A_642, %gt3A_644 : vector<16xi1>
          %or3A_699 = arith.ori %gt3A_646, %gt3A_648 : vector<16xi1>
          %or3A_700 = arith.ori %gt3A_650, %gt3A_652 : vector<16xi1>
          %or3A_701 = arith.ori %gt3A_654, %gt3A_656 : vector<16xi1>
          %or3A_702 = arith.ori %gt3A_658, %gt3A_660 : vector<16xi1>
          %or3A_703 = arith.ori %gt3A_662, %gt3A_664 : vector<16xi1>
          %or3A_704 = arith.ori %gt3A_666, %gt3A_668 : vector<16xi1>
          %or3A_705 = arith.ori %gt3A_670, %gt3A_672 : vector<16xi1>
          %or3A_706 = arith.ori %gt3A_674, %gt3A_676 : vector<16xi1>
          %or3A_707 = arith.ori %gt3A_678, %gt3A_680 : vector<16xi1>
          %or3A_708 = arith.ori %gt3A_682, %gt3A_684 : vector<16xi1>
          %or3A_709 = arith.ori %gt3A_686, %gt3A_688 : vector<16xi1>
          %or3A_710 = arith.ori %gt3A_690, %gt3A_692 : vector<16xi1>
          %or3A_711 = arith.ori %gt3A_694, %gt3A_696 : vector<16xi1>
          %or3A_712 = arith.ori %or3A, %or3A_697 : vector<16xi1>
          %or3A_713 = arith.ori %or3A_698, %or3A_699 : vector<16xi1>
          %or3A_714 = arith.ori %or3A_700, %or3A_701 : vector<16xi1>
          %or3A_715 = arith.ori %or3A_702, %or3A_703 : vector<16xi1>
          %or3A_716 = arith.ori %or3A_704, %or3A_705 : vector<16xi1>
          %or3A_717 = arith.ori %or3A_706, %or3A_707 : vector<16xi1>
          %or3A_718 = arith.ori %or3A_708, %or3A_709 : vector<16xi1>
          %or3A_719 = arith.ori %or3A_710, %or3A_711 : vector<16xi1>
          %or3A_720 = arith.ori %or3A_712, %or3A_713 : vector<16xi1>
          %or3A_721 = arith.ori %or3A_714, %or3A_715 : vector<16xi1>
          %or3A_722 = arith.ori %or3A_716, %or3A_717 : vector<16xi1>
          %or3A_723 = arith.ori %or3A_718, %or3A_719 : vector<16xi1>
          %or3A_724 = arith.ori %or3A_720, %or3A_721 : vector<16xi1>
          %or3A_725 = arith.ori %or3A_722, %or3A_723 : vector<16xi1>
          %or3A_726 = arith.ori %or3A_724, %or3A_725 : vector<16xi1>
          %all_reduce_population_count3A = tpu.all_reduce %or3A_726 {dim = 0 : i64, kind = #tpu.reduction_kind<sum>} : vector<16xi1> -> vector<16xi32>
          %slice3A_727 = vector.extract_strided_slice %all_reduce_population_count3A {offsets = [0], sizes = [1], strides = [1]} : vector<16xi32> to vector<1xi32>
          %squeeze3A_728 = vector.extract %slice3A_727[0] : i32 from vector<1xi32>
          %gt3A_729 = arith.constant 0 : i32
          %gt3A_730 = arith.cmpi sgt, %squeeze3A_728, %gt3A_729 : i32
          %convert_element_type3A_731 = arith.extui %gt3A_730 : i1 to i32
          %cond3A_732 = arith.constant 0 : i32
          %cond3A_733 = arith.cmpi ne, %convert_element_type3A_731, %cond3A_732 : i32
          scf.if %cond3A_733 {
            %while3A = arith.constant 1 : i32
            %while3A_734 = scf.while (%while3A_735 = %while3A) : (i32) -> i32 {
              %gt3A_736 = arith.constant 0 : i32
              %gt3A_737 = arith.cmpi sgt, %while3A_735, %gt3A_736 : i32
              scf.condition(%gt3A_737) %while3A_735 : i32
            } do {
            ^bb0(%while3A_735: i32):
              %gather3A_736 = tpu.vector_load_idx %arg7[%add3A_187] : memref<40976xf32, #tpu.memory_space<vmem>>[vector<16xi32>], vector<16xf32>,
              %gt3A_737 = arith.cmpf ogt, %gather3A, %gather3A_736 : vector<16xf32>
              tpu.vector_store_idx %arg7[%add3A_187], %gather3A masked %gt3A_737 : memref<40976xf32, #tpu.memory_space<vmem>>[vector<16xi32>], vector<16xf32>, vector<16xi1>
              %gather3A_738 = tpu.vector_load_idx %arg7[%add3A_187] : memref<40976xf32, #tpu.memory_space<vmem>>[vector<16xi32>], vector<16xf32>,
              %gt3A_739 = arith.cmpf ogt, %gather3A, %gather3A_738 : vector<16xf32>
              %gather3A_740 = tpu.vector_load_idx %arg7[%add3A_190] : memref<40976xf32, #tpu.memory_space<vmem>>[vector<16xi32>], vector<16xf32>,
              %gt3A_741 = arith.cmpf ogt, %gather3A_176, %gather3A_740 : vector<16xf32>
              tpu.vector_store_idx %arg7[%add3A_190], %gather3A_176 masked %gt3A_741 : memref<40976xf32, #tpu.memory_space<vmem>>[vector<16xi32>], vector<16xf32>, vector<16xi1>
              %gather3A_742 = tpu.vector_load_idx %arg7[%add3A_190] : memref<40976xf32, #tpu.memory_space<vmem>>[vector<16xi32>], vector<16xf32>,
              %gt3A_743 = arith.cmpf ogt, %gather3A_176, %gather3A_742 : vector<16xf32>
              %gather3A_744 = tpu.vector_load_idx %arg7[%add3A_193] : memref<40976xf32, #tpu.memory_space<vmem>>[vector<16xi32>], vector<16xf32>,
              %gt3A_745 = arith.cmpf ogt, %gather3A_180, %gather3A_744 : vector<16xf32>
              tpu.vector_store_idx %arg7[%add3A_193], %gather3A_180 masked %gt3A_745 : memref<40976xf32, #tpu.memory_space<vmem>>[vector<16xi32>], vector<16xf32>, vector<16xi1>
              %gather3A_746 = tpu.vector_load_idx %arg7[%add3A_193] : memref<40976xf32, #tpu.memory_space<vmem>>[vector<16xi32>], vector<16xf32>,
              %gt3A_747 = arith.cmpf ogt, %gather3A_180, %gather3A_746 : vector<16xf32>
              %gather3A_748 = tpu.vector_load_idx %arg7[%add3A_196] : memref<40976xf32, #tpu.memory_space<vmem>>[vector<16xi32>], vector<16xf32>,
              %gt3A_749 = arith.cmpf ogt, %gather3A_184, %gather3A_748 : vector<16xf32>
              tpu.vector_store_idx %arg7[%add3A_196], %gather3A_184 masked %gt3A_749 : memref<40976xf32, #tpu.memory_space<vmem>>[vector<16xi32>], vector<16xf32>, vector<16xi1>
              %gather3A_750 = tpu.vector_load_idx %arg7[%add3A_196] : memref<40976xf32, #tpu.memory_space<vmem>>[vector<16xi32>], vector<16xf32>,
              %gt3A_751 = arith.cmpf ogt, %gather3A_184, %gather3A_750 : vector<16xf32>
              %gather3A_752 = tpu.vector_load_idx %arg8[%add3A_246] : memref<40976xf32, #tpu.memory_space<vmem>>[vector<16xi32>], vector<16xf32>,
              %gt3A_753 = arith.cmpf ogt, %gather3A_231, %gather3A_752 : vector<16xf32>
              tpu.vector_store_idx %arg8[%add3A_246], %gather3A_231 masked %gt3A_753 : memref<40976xf32, #tpu.memory_space<vmem>>[vector<16xi32>], vector<16xf32>, vector<16xi1>
              %gather3A_754 = tpu.vector_load_idx %arg8[%add3A_246] : memref<40976xf32, #tpu.memory_space<vmem>>[vector<16xi32>], vector<16xf32>,
              %gt3A_755 = arith.cmpf ogt, %gather3A_231, %gather3A_754 : vector<16xf32>
              %gather3A_756 = tpu.vector_load_idx %arg8[%add3A_249] : memref<40976xf32, #tpu.memory_space<vmem>>[vector<16xi32>], vector<16xf32>,
              %gt3A_757 = arith.cmpf ogt, %gather3A_235, %gather3A_756 : vector<16xf32>
              tpu.vector_store_idx %arg8[%add3A_249], %gather3A_235 masked %gt3A_757 : memref<40976xf32, #tpu.memory_space<vmem>>[vector<16xi32>], vector<16xf32>, vector<16xi1>
              %gather3A_758 = tpu.vector_load_idx %arg8[%add3A_249] : memref<40976xf32, #tpu.memory_space<vmem>>[vector<16xi32>], vector<16xf32>,
              %gt3A_759 = arith.cmpf ogt, %gather3A_235, %gather3A_758 : vector<16xf32>
              %gather3A_760 = tpu.vector_load_idx %arg8[%add3A_252] : memref<40976xf32, #tpu.memory_space<vmem>>[vector<16xi32>], vector<16xf32>,
              %gt3A_761 = arith.cmpf ogt, %gather3A_239, %gather3A_760 : vector<16xf32>
              tpu.vector_store_idx %arg8[%add3A_252], %gather3A_239 masked %gt3A_761 : memref<40976xf32, #tpu.memory_space<vmem>>[vector<16xi32>], vector<16xf32>, vector<16xi1>
              %gather3A_762 = tpu.vector_load_idx %arg8[%add3A_252] : memref<40976xf32, #tpu.memory_space<vmem>>[vector<16xi32>], vector<16xf32>,
              %gt3A_763 = arith.cmpf ogt, %gather3A_239, %gather3A_762 : vector<16xf32>
              %gather3A_764 = tpu.vector_load_idx %arg8[%add3A_255] : memref<40976xf32, #tpu.memory_space<vmem>>[vector<16xi32>], vector<16xf32>,
              %gt3A_765 = arith.cmpf ogt, %gather3A_243, %gather3A_764 : vector<16xf32>
              tpu.vector_store_idx %arg8[%add3A_255], %gather3A_243 masked %gt3A_765 : memref<40976xf32, #tpu.memory_space<vmem>>[vector<16xi32>], vector<16xf32>, vector<16xi1>
              %gather3A_766 = tpu.vector_load_idx %arg8[%add3A_255] : memref<40976xf32, #tpu.memory_space<vmem>>[vector<16xi32>], vector<16xf32>,
              %gt3A_767 = arith.cmpf ogt, %gather3A_243, %gather3A_766 : vector<16xf32>
              %gather3A_768 = tpu.vector_load_idx %arg7[%add3A_306] : memref<40976xf32, #tpu.memory_space<vmem>>[vector<16xi32>], vector<16xf32>,
              %gt3A_769 = arith.cmpf ogt, %gather3A_291, %gather3A_768 : vector<16xf32>
              tpu.vector_store_idx %arg7[%add3A_306], %gather3A_291 masked %gt3A_769 : memref<40976xf32, #tpu.memory_space<vmem>>[vector<16xi32>], vector<16xf32>, vector<16xi1>
              %gather3A_770 = tpu.vector_load_idx %arg7[%add3A_306] : memref<40976xf32, #tpu.memory_space<vmem>>[vector<16xi32>], vector<16xf32>,
              %gt3A_771 = arith.cmpf ogt, %gather3A_291, %gather3A_770 : vector<16xf32>
              %gather3A_772 = tpu.vector_load_idx %arg7[%add3A_309] : memref<40976xf32, #tpu.memory_space<vmem>>[vector<16xi32>], vector<16xf32>,
              %gt3A_773 = arith.cmpf ogt, %gather3A_295, %gather3A_772 : vector<16xf32>
              tpu.vector_store_idx %arg7[%add3A_309], %gather3A_295 masked %gt3A_773 : memref<40976xf32, #tpu.memory_space<vmem>>[vector<16xi32>], vector<16xf32>, vector<16xi1>
              %gather3A_774 = tpu.vector_load_idx %arg7[%add3A_309] : memref<40976xf32, #tpu.memory_space<vmem>>[vector<16xi32>], vector<16xf32>,
              %gt3A_775 = arith.cmpf ogt, %gather3A_295, %gather3A_774 : vector<16xf32>
              %gather3A_776 = tpu.vector_load_idx %arg7[%add3A_312] : memref<40976xf32, #tpu.memory_space<vmem>>[vector<16xi32>], vector<16xf32>,
              %gt3A_777 = arith.cmpf ogt, %gather3A_299, %gather3A_776 : vector<16xf32>
              tpu.vector_store_idx %arg7[%add3A_312], %gather3A_299 masked %gt3A_777 : memref<40976xf32, #tpu.memory_space<vmem>>[vector<16xi32>], vector<16xf32>, vector<16xi1>
              %gather3A_778 = tpu.vector_load_idx %arg7[%add3A_312] : memref<40976xf32, #tpu.memory_space<vmem>>[vector<16xi32>], vector<16xf32>,
              %gt3A_779 = arith.cmpf ogt, %gather3A_299, %gather3A_778 : vector<16xf32>
              %gather3A_780 = tpu.vector_load_idx %arg7[%add3A_315] : memref<40976xf32, #tpu.memory_space<vmem>>[vector<16xi32>], vector<16xf32>,
              %gt3A_781 = arith.cmpf ogt, %gather3A_303, %gather3A_780 : vector<16xf32>
              tpu.vector_store_idx %arg7[%add3A_315], %gather3A_303 masked %gt3A_781 : memref<40976xf32, #tpu.memory_space<vmem>>[vector<16xi32>], vector<16xf32>, vector<16xi1>
              %gather3A_782 = tpu.vector_load_idx %arg7[%add3A_315] : memref<40976xf32, #tpu.memory_space<vmem>>[vector<16xi32>], vector<16xf32>,
              %gt3A_783 = arith.cmpf ogt, %gather3A_303, %gather3A_782 : vector<16xf32>
              %gather3A_784 = tpu.vector_load_idx %arg8[%add3A_366] : memref<40976xf32, #tpu.memory_space<vmem>>[vector<16xi32>], vector<16xf32>,
              %gt3A_785 = arith.cmpf ogt, %gather3A_351, %gather3A_784 : vector<16xf32>
              tpu.vector_store_idx %arg8[%add3A_366], %gather3A_351 masked %gt3A_785 : memref<40976xf32, #tpu.memory_space<vmem>>[vector<16xi32>], vector<16xf32>, vector<16xi1>
              %gather3A_786 = tpu.vector_load_idx %arg8[%add3A_366] : memref<40976xf32, #tpu.memory_space<vmem>>[vector<16xi32>], vector<16xf32>,
              %gt3A_787 = arith.cmpf ogt, %gather3A_351, %gather3A_786 : vector<16xf32>
              %gather3A_788 = tpu.vector_load_idx %arg8[%add3A_369] : memref<40976xf32, #tpu.memory_space<vmem>>[vector<16xi32>], vector<16xf32>,
              %gt3A_789 = arith.cmpf ogt, %gather3A_355, %gather3A_788 : vector<16xf32>
              tpu.vector_store_idx %arg8[%add3A_369], %gather3A_355 masked %gt3A_789 : memref<40976xf32, #tpu.memory_space<vmem>>[vector<16xi32>], vector<16xf32>, vector<16xi1>
              %gather3A_790 = tpu.vector_load_idx %arg8[%add3A_369] : memref<40976xf32, #tpu.memory_space<vmem>>[vector<16xi32>], vector<16xf32>,
              %gt3A_791 = arith.cmpf ogt, %gather3A_355, %gather3A_790 : vector<16xf32>
              %gather3A_792 = tpu.vector_load_idx %arg8[%add3A_372] : memref<40976xf32, #tpu.memory_space<vmem>>[vector<16xi32>], vector<16xf32>,
              %gt3A_793 = arith.cmpf ogt, %gather3A_359, %gather3A_792 : vector<16xf32>
              tpu.vector_store_idx %arg8[%add3A_372], %gather3A_359 masked %gt3A_793 : memref<40976xf32, #tpu.memory_space<vmem>>[vector<16xi32>], vector<16xf32>, vector<16xi1>
              %gather3A_794 = tpu.vector_load_idx %arg8[%add3A_372] : memref<40976xf32, #tpu.memory_space<vmem>>[vector<16xi32>], vector<16xf32>,
              %gt3A_795 = arith.cmpf ogt, %gather3A_359, %gather3A_794 : vector<16xf32>
              %gather3A_796 = tpu.vector_load_idx %arg8[%add3A_375] : memref<40976xf32, #tpu.memory_space<vmem>>[vector<16xi32>], vector<16xf32>,
              %gt3A_797 = arith.cmpf ogt, %gather3A_363, %gather3A_796 : vector<16xf32>
              tpu.vector_store_idx %arg8[%add3A_375], %gather3A_363 masked %gt3A_797 : memref<40976xf32, #tpu.memory_space<vmem>>[vector<16xi32>], vector<16xf32>, vector<16xi1>
              %gather3A_798 = tpu.vector_load_idx %arg8[%add3A_375] : memref<40976xf32, #tpu.memory_space<vmem>>[vector<16xi32>], vector<16xf32>,
              %gt3A_799 = arith.cmpf ogt, %gather3A_363, %gather3A_798 : vector<16xf32>
              %gather3A_800 = tpu.vector_load_idx %arg7[%add3A_426] : memref<40976xf32, #tpu.memory_space<vmem>>[vector<16xi32>], vector<16xf32>,
              %gt3A_801 = arith.cmpf ogt, %gather3A_411, %gather3A_800 : vector<16xf32>
              tpu.vector_store_idx %arg7[%add3A_426], %gather3A_411 masked %gt3A_801 : memref<40976xf32, #tpu.memory_space<vmem>>[vector<16xi32>], vector<16xf32>, vector<16xi1>
              %gather3A_802 = tpu.vector_load_idx %arg7[%add3A_426] : memref<40976xf32, #tpu.memory_space<vmem>>[vector<16xi32>], vector<16xf32>,
              %gt3A_803 = arith.cmpf ogt, %gather3A_411, %gather3A_802 : vector<16xf32>
              %gather3A_804 = tpu.vector_load_idx %arg7[%add3A_429] : memref<40976xf32, #tpu.memory_space<vmem>>[vector<16xi32>], vector<16xf32>,
              %gt3A_805 = arith.cmpf ogt, %gather3A_415, %gather3A_804 : vector<16xf32>
              tpu.vector_store_idx %arg7[%add3A_429], %gather3A_415 masked %gt3A_805 : memref<40976xf32, #tpu.memory_space<vmem>>[vector<16xi32>], vector<16xf32>, vector<16xi1>
              %gather3A_806 = tpu.vector_load_idx %arg7[%add3A_429] : memref<40976xf32, #tpu.memory_space<vmem>>[vector<16xi32>], vector<16xf32>,
              %gt3A_807 = arith.cmpf ogt, %gather3A_415, %gather3A_806 : vector<16xf32>
              %gather3A_808 = tpu.vector_load_idx %arg7[%add3A_432] : memref<40976xf32, #tpu.memory_space<vmem>>[vector<16xi32>], vector<16xf32>,
              %gt3A_809 = arith.cmpf ogt, %gather3A_419, %gather3A_808 : vector<16xf32>
              tpu.vector_store_idx %arg7[%add3A_432], %gather3A_419 masked %gt3A_809 : memref<40976xf32, #tpu.memory_space<vmem>>[vector<16xi32>], vector<16xf32>, vector<16xi1>
              %gather3A_810 = tpu.vector_load_idx %arg7[%add3A_432] : memref<40976xf32, #tpu.memory_space<vmem>>[vector<16xi32>], vector<16xf32>,
              %gt3A_811 = arith.cmpf ogt, %gather3A_419, %gather3A_810 : vector<16xf32>
              %gather3A_812 = tpu.vector_load_idx %arg7[%add3A_435] : memref<40976xf32, #tpu.memory_space<vmem>>[vector<16xi32>], vector<16xf32>,
              %gt3A_813 = arith.cmpf ogt, %gather3A_423, %gather3A_812 : vector<16xf32>
              tpu.vector_store_idx %arg7[%add3A_435], %gather3A_423 masked %gt3A_813 : memref<40976xf32, #tpu.memory_space<vmem>>[vector<16xi32>], vector<16xf32>, vector<16xi1>
              %gather3A_814 = tpu.vector_load_idx %arg7[%add3A_435] : memref<40976xf32, #tpu.memory_space<vmem>>[vector<16xi32>], vector<16xf32>,
              %gt3A_815 = arith.cmpf ogt, %gather3A_423, %gather3A_814 : vector<16xf32>
              %gather3A_816 = tpu.vector_load_idx %arg8[%add3A_486] : memref<40976xf32, #tpu.memory_space<vmem>>[vector<16xi32>], vector<16xf32>,
              %gt3A_817 = arith.cmpf ogt, %gather3A_471, %gather3A_816 : vector<16xf32>
              tpu.vector_store_idx %arg8[%add3A_486], %gather3A_471 masked %gt3A_817 : memref<40976xf32, #tpu.memory_space<vmem>>[vector<16xi32>], vector<16xf32>, vector<16xi1>
              %gather3A_818 = tpu.vector_load_idx %arg8[%add3A_486] : memref<40976xf32, #tpu.memory_space<vmem>>[vector<16xi32>], vector<16xf32>,
              %gt3A_819 = arith.cmpf ogt, %gather3A_471, %gather3A_818 : vector<16xf32>
              %gather3A_820 = tpu.vector_load_idx %arg8[%add3A_489] : memref<40976xf32, #tpu.memory_space<vmem>>[vector<16xi32>], vector<16xf32>,
              %gt3A_821 = arith.cmpf ogt, %gather3A_475, %gather3A_820 : vector<16xf32>
              tpu.vector_store_idx %arg8[%add3A_489], %gather3A_475 masked %gt3A_821 : memref<40976xf32, #tpu.memory_space<vmem>>[vector<16xi32>], vector<16xf32>, vector<16xi1>
              %gather3A_822 = tpu.vector_load_idx %arg8[%add3A_489] : memref<40976xf32, #tpu.memory_space<vmem>>[vector<16xi32>], vector<16xf32>,
              %gt3A_823 = arith.cmpf ogt, %gather3A_475, %gather3A_822 : vector<16xf32>
              %gather3A_824 = tpu.vector_load_idx %arg8[%add3A_492] : memref<40976xf32, #tpu.memory_space<vmem>>[vector<16xi32>], vector<16xf32>,
              %gt3A_825 = arith.cmpf ogt, %gather3A_479, %gather3A_824 : vector<16xf32>
              tpu.vector_store_idx %arg8[%add3A_492], %gather3A_479 masked %gt3A_825 : memref<40976xf32, #tpu.memory_space<vmem>>[vector<16xi32>], vector<16xf32>, vector<16xi1>
              %gather3A_826 = tpu.vector_load_idx %arg8[%add3A_492] : memref<40976xf32, #tpu.memory_space<vmem>>[vector<16xi32>], vector<16xf32>,
              %gt3A_827 = arith.cmpf ogt, %gather3A_479, %gather3A_826 : vector<16xf32>
              %gather3A_828 = tpu.vector_load_idx %arg8[%add3A_495] : memref<40976xf32, #tpu.memory_space<vmem>>[vector<16xi32>], vector<16xf32>,
              %gt3A_829 = arith.cmpf ogt, %gather3A_483, %gather3A_828 : vector<16xf32>
              tpu.vector_store_idx %arg8[%add3A_495], %gather3A_483 masked %gt3A_829 : memref<40976xf32, #tpu.memory_space<vmem>>[vector<16xi32>], vector<16xf32>, vector<16xi1>
              %gather3A_830 = tpu.vector_load_idx %arg8[%add3A_495] : memref<40976xf32, #tpu.memory_space<vmem>>[vector<16xi32>], vector<16xf32>,
              %gt3A_831 = arith.cmpf ogt, %gather3A_483, %gather3A_830 : vector<16xf32>
              %gather3A_832 = tpu.vector_load_idx %arg7[%add3A_546] : memref<40976xf32, #tpu.memory_space<vmem>>[vector<16xi32>], vector<16xf32>,
              %gt3A_833 = arith.cmpf ogt, %gather3A_531, %gather3A_832 : vector<16xf32>
              tpu.vector_store_idx %arg7[%add3A_546], %gather3A_531 masked %gt3A_833 : memref<40976xf32, #tpu.memory_space<vmem>>[vector<16xi32>], vector<16xf32>, vector<16xi1>
              %gather3A_834 = tpu.vector_load_idx %arg7[%add3A_546] : memref<40976xf32, #tpu.memory_space<vmem>>[vector<16xi32>], vector<16xf32>,
              %gt3A_835 = arith.cmpf ogt, %gather3A_531, %gather3A_834 : vector<16xf32>
              %gather3A_836 = tpu.vector_load_idx %arg7[%add3A_549] : memref<40976xf32, #tpu.memory_space<vmem>>[vector<16xi32>], vector<16xf32>,
              %gt3A_837 = arith.cmpf ogt, %gather3A_535, %gather3A_836 : vector<16xf32>
              tpu.vector_store_idx %arg7[%add3A_549], %gather3A_535 masked %gt3A_837 : memref<40976xf32, #tpu.memory_space<vmem>>[vector<16xi32>], vector<16xf32>, vector<16xi1>
              %gather3A_838 = tpu.vector_load_idx %arg7[%add3A_549] : memref<40976xf32, #tpu.memory_space<vmem>>[vector<16xi32>], vector<16xf32>,
              %gt3A_839 = arith.cmpf ogt, %gather3A_535, %gather3A_838 : vector<16xf32>
              %gather3A_840 = tpu.vector_load_idx %arg7[%add3A_552] : memref<40976xf32, #tpu.memory_space<vmem>>[vector<16xi32>], vector<16xf32>,
              %gt3A_841 = arith.cmpf ogt, %gather3A_539, %gather3A_840 : vector<16xf32>
              tpu.vector_store_idx %arg7[%add3A_552], %gather3A_539 masked %gt3A_841 : memref<40976xf32, #tpu.memory_space<vmem>>[vector<16xi32>], vector<16xf32>, vector<16xi1>
              %gather3A_842 = tpu.vector_load_idx %arg7[%add3A_552] : memref<40976xf32, #tpu.memory_space<vmem>>[vector<16xi32>], vector<16xf32>,
              %gt3A_843 = arith.cmpf ogt, %gather3A_539, %gather3A_842 : vector<16xf32>
              %gather3A_844 = tpu.vector_load_idx %arg7[%add3A_555] : memref<40976xf32, #tpu.memory_space<vmem>>[vector<16xi32>], vector<16xf32>,
              %gt3A_845 = arith.cmpf ogt, %gather3A_543, %gather3A_844 : vector<16xf32>
              tpu.vector_store_idx %arg7[%add3A_555], %gather3A_543 masked %gt3A_845 : memref<40976xf32, #tpu.memory_space<vmem>>[vector<16xi32>], vector<16xf32>, vector<16xi1>
              %gather3A_846 = tpu.vector_load_idx %arg7[%add3A_555] : memref<40976xf32, #tpu.memory_space<vmem>>[vector<16xi32>], vector<16xf32>,
              %gt3A_847 = arith.cmpf ogt, %gather3A_543, %gather3A_846 : vector<16xf32>
              %gather3A_848 = tpu.vector_load_idx %arg8[%add3A_606] : memref<40976xf32, #tpu.memory_space<vmem>>[vector<16xi32>], vector<16xf32>,
              %gt3A_849 = arith.cmpf ogt, %gather3A_591, %gather3A_848 : vector<16xf32>
              tpu.vector_store_idx %arg8[%add3A_606], %gather3A_591 masked %gt3A_849 : memref<40976xf32, #tpu.memory_space<vmem>>[vector<16xi32>], vector<16xf32>, vector<16xi1>
              %gather3A_850 = tpu.vector_load_idx %arg8[%add3A_606] : memref<40976xf32, #tpu.memory_space<vmem>>[vector<16xi32>], vector<16xf32>,
              %gt3A_851 = arith.cmpf ogt, %gather3A_591, %gather3A_850 : vector<16xf32>
              %gather3A_852 = tpu.vector_load_idx %arg8[%add3A_609] : memref<40976xf32, #tpu.memory_space<vmem>>[vector<16xi32>], vector<16xf32>,
              %gt3A_853 = arith.cmpf ogt, %gather3A_595, %gather3A_852 : vector<16xf32>
              tpu.vector_store_idx %arg8[%add3A_609], %gather3A_595 masked %gt3A_853 : memref<40976xf32, #tpu.memory_space<vmem>>[vector<16xi32>], vector<16xf32>, vector<16xi1>
              %gather3A_854 = tpu.vector_load_idx %arg8[%add3A_609] : memref<40976xf32, #tpu.memory_space<vmem>>[vector<16xi32>], vector<16xf32>,
              %gt3A_855 = arith.cmpf ogt, %gather3A_595, %gather3A_854 : vector<16xf32>
              %gather3A_856 = tpu.vector_load_idx %arg8[%add3A_612] : memref<40976xf32, #tpu.memory_space<vmem>>[vector<16xi32>], vector<16xf32>,
              %gt3A_857 = arith.cmpf ogt, %gather3A_599, %gather3A_856 : vector<16xf32>
              tpu.vector_store_idx %arg8[%add3A_612], %gather3A_599 masked %gt3A_857 : memref<40976xf32, #tpu.memory_space<vmem>>[vector<16xi32>], vector<16xf32>, vector<16xi1>
              %gather3A_858 = tpu.vector_load_idx %arg8[%add3A_612] : memref<40976xf32, #tpu.memory_space<vmem>>[vector<16xi32>], vector<16xf32>,
              %gt3A_859 = arith.cmpf ogt, %gather3A_599, %gather3A_858 : vector<16xf32>
              %gather3A_860 = tpu.vector_load_idx %arg8[%add3A_615] : memref<40976xf32, #tpu.memory_space<vmem>>[vector<16xi32>], vector<16xf32>,
              %gt3A_861 = arith.cmpf ogt, %gather3A_603, %gather3A_860 : vector<16xf32>
              tpu.vector_store_idx %arg8[%add3A_615], %gather3A_603 masked %gt3A_861 : memref<40976xf32, #tpu.memory_space<vmem>>[vector<16xi32>], vector<16xf32>, vector<16xi1>
              %gather3A_862 = tpu.vector_load_idx %arg8[%add3A_615] : memref<40976xf32, #tpu.memory_space<vmem>>[vector<16xi32>], vector<16xf32>,
              %gt3A_863 = arith.cmpf ogt, %gather3A_603, %gather3A_862 : vector<16xf32>
              %or3A_864 = arith.ori %gt3A_739, %gt3A_743 : vector<16xi1>
              %or3A_865 = arith.ori %gt3A_747, %gt3A_751 : vector<16xi1>
              %or3A_866 = arith.ori %gt3A_755, %gt3A_759 : vector<16xi1>
              %or3A_867 = arith.ori %gt3A_763, %gt3A_767 : vector<16xi1>
              %or3A_868 = arith.ori %gt3A_771, %gt3A_775 : vector<16xi1>
              %or3A_869 = arith.ori %gt3A_779, %gt3A_783 : vector<16xi1>
              %or3A_870 = arith.ori %gt3A_787, %gt3A_791 : vector<16xi1>
              %or3A_871 = arith.ori %gt3A_795, %gt3A_799 : vector<16xi1>
              %or3A_872 = arith.ori %gt3A_803, %gt3A_807 : vector<16xi1>
              %or3A_873 = arith.ori %gt3A_811, %gt3A_815 : vector<16xi1>
              %or3A_874 = arith.ori %gt3A_819, %gt3A_823 : vector<16xi1>
              %or3A_875 = arith.ori %gt3A_827, %gt3A_831 : vector<16xi1>
              %or3A_876 = arith.ori %gt3A_835, %gt3A_839 : vector<16xi1>
              %or3A_877 = arith.ori %gt3A_843, %gt3A_847 : vector<16xi1>
              %or3A_878 = arith.ori %gt3A_851, %gt3A_855 : vector<16xi1>
              %or3A_879 = arith.ori %gt3A_859, %gt3A_863 : vector<16xi1>
              %or3A_880 = arith.ori %or3A_864, %or3A_865 : vector<16xi1>
              %or3A_881 = arith.ori %or3A_866, %or3A_867 : vector<16xi1>
              %or3A_882 = arith.ori %or3A_868, %or3A_869 : vector<16xi1>
              %or3A_883 = arith.ori %or3A_870, %or3A_871 : vector<16xi1>
              %or3A_884 = arith.ori %or3A_872, %or3A_873 : vector<16xi1>
              %or3A_885 = arith.ori %or3A_874, %or3A_875 : vector<16xi1>
              %or3A_886 = arith.ori %or3A_876, %or3A_877 : vector<16xi1>
              %or3A_887 = arith.ori %or3A_878, %or3A_879 : vector<16xi1>
              %or3A_888 = arith.ori %or3A_880, %or3A_881 : vector<16xi1>
              %or3A_889 = arith.ori %or3A_882, %or3A_883 : vector<16xi1>
              %or3A_890 = arith.ori %or3A_884, %or3A_885 : vector<16xi1>
              %or3A_891 = arith.ori %or3A_886, %or3A_887 : vector<16xi1>
              %or3A_892 = arith.ori %or3A_888, %or3A_889 : vector<16xi1>
              %or3A_893 = arith.ori %or3A_890, %or3A_891 : vector<16xi1>
              %or3A_894 = arith.ori %or3A_892, %or3A_893 : vector<16xi1>
              %all_reduce_population_count3A_895 = tpu.all_reduce %or3A_894 {dim = 0 : i64, kind = #tpu.reduction_kind<sum>} : vector<16xi1> -> vector<16xi32>
              %slice3A_896 = vector.extract_strided_slice %all_reduce_population_count3A_895 {offsets = [0], sizes = [1], strides = [1]} : vector<16xi32> to vector<1xi32>
              %squeeze3A_897 = vector.extract %slice3A_896[0] : i32 from vector<1xi32>
              scf.yield %squeeze3A_897 : i32
            }
          } else {
          }
        } else {
        }
        %scan3A_632 = arith.constant 0 : i32
        scf.yield %scan3A_632 : i32
      }
      %scan3A_138 = arith.constant 10 : i32
      %add3A_139 = arith.constant 2 : i32
      %add3A_140 = arith.addi %scan3A_94, %add3A_139 : i32
      %lt3A_141 = arith.constant 250 : i32
      %lt3A_142 = arith.cmpi slt, %add3A_140, %lt3A_141 : i32
      %convert_element_type3A = arith.extui %lt3A_142 : i1 to i32
      %cond3A = arith.constant 0 : i32
      %cond3A_143 = arith.cmpi ne, %convert_element_type3A, %cond3A : i32
      scf.if %cond3A_143 {
        %add3A_145 = arith.constant 2 : i32
        %add3A_146 = arith.addi %scan3A_94, %add3A_145 : i32
        %mul3A_147 = arith.constant 1280 : i32
        %mul3A_148 = arith.muli %add3A_146, %mul3A_147 : i32
        %dma_start3A_149 = arith.constant 0 : i32
        %dma_start3A_150 = arith.constant 0 : i32
        %dma_start3A_151 = tpu.memref_slice %arg9[%select_n3A_104, %dma_start3A_149, %dma_start3A_150] : memref<2x2x1280xi32, #tpu.memory_space<vmem>> -> memref<1x2x1280xi32, #tpu.memory_space<vmem>>
        %dma_start3A_152 = tpu.memref_squeeze %dma_start3A_151 : memref<1x2x1280xi32, #tpu.memory_space<vmem>> -> memref<2x1280xi32, #tpu.memory_space<vmem>>
        %dma_start3A_153 = arith.constant 0 : i32
        %dma_start3A_154 = tpu.memref_slice %arg3[%dma_start3A_153, %mul3A_148] : memref<2x320000xi32, #tpu.memory_space<hbm>> -> memref<2x1280xi32, #tpu.memory_space<hbm>>
        %dma_start3A_155 = tpu.memref_slice %arg11[%select_n3A_104] : memref<2x!tpu.dma_semaphore, #tpu.memory_space<semaphore_mem>> -> memref<1x!tpu.dma_semaphore, #tpu.memory_space<semaphore_mem>>
        %dma_start3A_156 = tpu.memref_squeeze %dma_start3A_155 : memref<1x!tpu.dma_semaphore, #tpu.memory_space<semaphore_mem>> -> memref<!tpu.dma_semaphore, #tpu.memory_space<semaphore_mem>>
        %dma_start3A_157 = arith.constant 0 : i32
        %dma_start3A_158 = arith.constant 0 : i32
        %dma_start3A_159 = tpu.memref_slice %arg9[%select_n3A_104, %dma_start3A_157, %dma_start3A_158] : memref<2x2x1280xi32, #tpu.memory_space<vmem>> -> memref<1x2x1280xi32, #tpu.memory_space<vmem>>
        %dma_start3A_160 = tpu.memref_squeeze %dma_start3A_159 : memref<1x2x1280xi32, #tpu.memory_space<vmem>> -> memref<2x1280xi32, #tpu.memory_space<vmem>>
        %dma_start3A_161 = arith.constant 0 : i32
        %dma_start3A_162 = tpu.memref_slice %arg3[%dma_start3A_161, %mul3A_148] : memref<2x320000xi32, #tpu.memory_space<hbm>> -> memref<2x1280xi32, #tpu.memory_space<hbm>>
        tpu.enqueue_dma source(%dma_start3A_162 : memref<2x1280xi32, #tpu.memory_space<hbm>>) target(%dma_start3A_160 : memref<2x1280xi32, #tpu.memory_space<vmem>>) target_semaphore(%dma_start3A_156 : memref<!tpu.dma_semaphore, #tpu.memory_space<semaphore_mem>>)
        %add3A_163 = arith.constant 2 : i32
        %add3A_164 = arith.addi %scan3A_94, %add3A_163 : i32
        %mul3A_165 = arith.constant 16 : i32
        %mul3A_166 = arith.muli %add3A_164, %mul3A_165 : i32
        %dma_start3A_167 = arith.constant 0 : i32
        %dma_start3A_168 = tpu.memref_slice %arg10[%select_n3A_104, %dma_start3A_167] : memref<2x25xi32, #tpu.memory_space<vmem>> -> memref<1x16xi32, #tpu.memory_space<vmem>>
        %dma_start3A_169 = tpu.memref_squeeze %dma_start3A_168 : memref<1x16xi32, #tpu.memory_space<vmem>> -> memref<16xi32, #tpu.memory_space<vmem>>
        %dma_start3A_170 = tpu.memref_slice %arg4[%mul3A_166] : memref<4000xi32, #tpu.memory_space<hbm>> -> memref<16xi32, #tpu.memory_space<hbm>>
        %dma_start3A_171 = tpu.memref_slice %arg12[%select_n3A_104] : memref<2x!tpu.dma_semaphore, #tpu.memory_space<semaphore_mem>> -> memref<1x!tpu.dma_semaphore, #tpu.memory_space<semaphore_mem>>
        %dma_start3A_172 = tpu.memref_squeeze %dma_start3A_171 : memref<1x!tpu.dma_semaphore, #tpu.memory_space<semaphore_mem>> -> memref<!tpu.dma_semaphore, #tpu.memory_space<semaphore_mem>>
        %dma_start3A_173 = arith.constant 0 : i32
        %dma_start3A_174 = tpu.memref_slice %arg10[%select_n3A_104, %dma_start3A_173] : memref<2x25xi32, #tpu.memory_space<vmem>> -> memref<1x16xi32, #tpu.memory_space<vmem>>
        %dma_start3A_175 = tpu.memref_squeeze %dma_start3A_174 : memref<1x16xi32, #tpu.memory_space<vmem>> -> memref<16xi32, #tpu.memory_space<vmem>>
        %dma_start3A_176 = tpu.memref_slice %arg4[%mul3A_166] : memref<4000xi32, #tpu.memory_space<hbm>> -> memref<16xi32, #tpu.memory_space<hbm>>
        tpu.enqueue_dma source(%dma_start3A_176 : memref<16xi32, #tpu.memory_space<hbm>>) target(%dma_start3A_175 : memref<16xi32, #tpu.memory_space<vmem>>) target_semaphore(%dma_start3A_172 : memref<!tpu.dma_semaphore, #tpu.memory_space<semaphore_mem>>)
      } else {
      }
      %scan3A_144 = arith.constant 0 : i32
      scf.yield %scan3A_144 : i32
    }
    %scan3A_86 = arith.constant 250 : i32
    %scan3A_87 = arith.constant 0 : i32
    %scan3A_88 = arith.constant 0 : i32
    %scan3A_89 = arith.constant 2561 : i32
    %scan3A_90 = arith.addi %scan3A_88, %scan3A_89 : i32
    %scan3A_91 = arith.constant 1 : i32
    %scan3A_92 = scf.for %scan3A_94 = %scan3A_88 to %scan3A_90 step %scan3A_91 iter_args(%scan3A_95 = %scan3A_87) -> (i32)  : i32 {
      %mul3A_96 = arith.constant 16 : i32
      %mul3A_97 = arith.muli %scan3A_94, %mul3A_96 : i32
      %get3A = arith.index_cast %mul3A_97 : i32 to index
      %get3A_98 = tpu.vector_load %arg7[%get3A] {strides = array<i32>} : memref<40976xf32, #tpu.memory_space<vmem>>, vector<16xf32>,
      %get3A_99 = arith.index_cast %mul3A_97 : i32 to index
      %get3A_100 = tpu.vector_load %arg8[%get3A_99] {strides = array<i32>} : memref<40976xf32, #tpu.memory_space<vmem>>, vector<16xf32>,
      %max3A = arith.maximumf %get3A_98, %get3A_100 : vector<16xf32>
      %swap3A_101 = arith.index_cast %mul3A_97 : i32 to index
      %swap3A_102 = tpu.vector_load %arg7[%swap3A_101] {strides = array<i32>} : memref<40976xf32, #tpu.memory_space<vmem>>, vector<16xf32>,
      tpu.vector_store %arg7[%swap3A_101], %max3A {strides = array<i32>} : memref<40976xf32, #tpu.memory_space<vmem>>, vector<16xf32>,
      %scan3A_103 = arith.constant 0 : i32
      scf.yield %scan3A_103 : i32
    }
    %scan3A_93 = arith.constant 2561 : i32
    "tpu.region"() ({
      %run_scoped3A = tpu.sem_alloc : memref<!tpu.dma_semaphore, #tpu.memory_space<semaphore_mem>>
      %dma_start3A_94 = arith.constant 0 : i32
      %dma_start3A_95 = tpu.memref_slice %arg5[%add3A, %dma_start3A_94] : memref<32x40976xf32, #tpu.memory_space<hbm>> -> memref<1x40976xf32, #tpu.memory_space<hbm>>
      %dma_start3A_96 = tpu.memref_squeeze %dma_start3A_95 : memref<1x40976xf32, #tpu.memory_space<hbm>> -> memref<40976xf32, #tpu.memory_space<hbm>>
      %dma_start3A_97 = arith.constant 0 : i32
      %dma_start3A_98 = tpu.memref_slice %arg5[%add3A, %dma_start3A_97] : memref<32x40976xf32, #tpu.memory_space<hbm>> -> memref<1x40976xf32, #tpu.memory_space<hbm>>
      %dma_start3A_99 = tpu.memref_squeeze %dma_start3A_98 : memref<1x40976xf32, #tpu.memory_space<hbm>> -> memref<40976xf32, #tpu.memory_space<hbm>>
      tpu.enqueue_dma source(%arg7 : memref<40976xf32, #tpu.memory_space<vmem>>) target(%dma_start3A_99 : memref<40976xf32, #tpu.memory_space<hbm>>) target_semaphore(%run_scoped3A : memref<!tpu.dma_semaphore, #tpu.memory_space<semaphore_mem>>)
      %dma_wait3A = arith.constant 0 : i32
      %dma_wait3A_100 = tpu.memref_slice %arg5[%add3A, %dma_wait3A] : memref<32x40976xf32, #tpu.memory_space<hbm>> -> memref<1x40976xf32, #tpu.memory_space<hbm>>
      %dma_wait3A_101 = tpu.memref_squeeze %dma_wait3A_100 : memref<1x40976xf32, #tpu.memory_space<hbm>> -> memref<40976xf32, #tpu.memory_space<hbm>>
      %dma_wait3A_102 = arith.constant 0 : i32
      %dma_wait3A_103 = tpu.memref_slice %arg5[%add3A, %dma_wait3A_102] : memref<32x40976xf32, #tpu.memory_space<hbm>> -> memref<1x40976xf32, #tpu.memory_space<hbm>>
      %dma_wait3A_104 = tpu.memref_squeeze %dma_wait3A_103 : memref<1x40976xf32, #tpu.memory_space<hbm>> -> memref<40976xf32, #tpu.memory_space<hbm>>
      tpu.wait_dma2 semaphore(%run_scoped3A : memref<!tpu.dma_semaphore, #tpu.memory_space<semaphore_mem>>) src(%arg7 : memref<40976xf32, #tpu.memory_space<vmem>>) dst(%dma_wait3A_104 : memref<40976xf32, #tpu.memory_space<hbm>>)
      tpu.yield
    }) : () -> ()
    return
  }
}

module attributes {stable_mosaic.version = 14 : i64} {
  func.func @_tc1_body(%arg0: i32, %arg1: memref<1024x128xf32, #tpu.memory_space<vmem>>, %arg2: memref<1024x8xf32, #tpu.memory_space<vmem>>, %arg3: memref<128x128xf32, #tpu.memory_space<vmem>>, %arg4: memref<1x128xf32, #tpu.memory_space<vmem>>, %arg5: memref<128x8xf32, #tpu.memory_space<vmem>>, %arg6: memref<1x8xf32, #tpu.memory_space<vmem>>, %arg7: memref<8x128xf32, #tpu.memory_space<vmem>>, %arg8: memref<128x128xf32, #tpu.memory_space<vmem>>, %arg9: memref<1x128xf32, #tpu.memory_space<vmem>>, %arg10: memref<1024x128xf32, #tpu.memory_space<vmem>>, %arg11: memref<1024x128xf32, #tpu.memory_space<vmem>>) attributes {dimension_semantics = [#tpu.dimension_semantics<arbitrary>], iteration_bounds = array<i64: 10>, scalar_prefetch = 0 : i64, scratch_operands = 0 : i64, tpu.core_type = #tpu.core_type<tc>, window_params = [{transform_indices = @transform_0, window_bounds = array<i64: 1024, 128>}, {transform_indices = @transform_1, window_bounds = array<i64: 1024, 8>}, {pipeline_mode = #tpu.pipeline_mode<synchronous>, transform_indices = @transform_2, window_bounds = array<i64: 128, 128>}, {pipeline_mode = #tpu.pipeline_mode<synchronous>, transform_indices = @transform_3, window_bounds = array<i64: 1, 128>}, {pipeline_mode = #tpu.pipeline_mode<synchronous>, transform_indices = @transform_4, window_bounds = array<i64: 128, 8>}, {pipeline_mode = #tpu.pipeline_mode<synchronous>, transform_indices = @transform_5, window_bounds = array<i64: 1, 8>}, {pipeline_mode = #tpu.pipeline_mode<synchronous>, transform_indices = @transform_6, window_bounds = array<i64: 8, 128>}, {pipeline_mode = #tpu.pipeline_mode<synchronous>, transform_indices = @transform_7, window_bounds = array<i64: 128, 128>}, {pipeline_mode = #tpu.pipeline_mode<synchronous>, transform_indices = @transform_8, window_bounds = array<i64: 1, 128>}, {transform_indices = @transform_9, window_bounds = array<i64: 1024, 128>}, {transform_indices = @transform_10, window_bounds = array<i64: 1024, 128>}]} {
    %get3A = arith.constant 0 : index
    %get3A_0 = arith.constant 0 : index
    %get3A_1 = vector.load %arg1[%get3A, %get3A_0] : memref<1024x128xf32, #tpu.memory_space<vmem>>, vector<1024x128xf32>
    %get3A_2 = arith.constant 0 : index
    %get3A_3 = arith.constant 0 : index
    %get3A_4 = vector.load %arg2[%get3A_2, %get3A_3] : memref<1024x8xf32, #tpu.memory_space<vmem>>, vector<1024x8xf32>
    %get3A_5 = arith.constant 0 : index
    %get3A_6 = arith.constant 0 : index
    %get3A_7 = vector.load %arg3[%get3A_5, %get3A_6] : memref<128x128xf32, #tpu.memory_space<vmem>>, vector<128x128xf32>
    %dot_general3A = arith.constant dense<0.000000e+00> : vector<1024x128xf32>
    %dot_general3A_8 = tpu.matmul %get3A_1, %get3A_7, %dot_general3A {dimension_numbers = #tpu.dot_dimension_numbers<[1], [0], [0], [1], [0, 0, 1, 1], [], []>, transpose_lhs_hint = false} : vector<1024x128xf32>, vector<128x128xf32>, vector<1024x128xf32> -> vector<1024x128xf32>
    %get3A_9 = arith.constant 0 : index
    %get3A_10 = arith.constant 0 : index
    %get3A_11 = vector.load %arg4[%get3A_9, %get3A_10] : memref<1x128xf32, #tpu.memory_space<vmem>>, vector<1x128xf32>
    %add3A = vector.broadcast %get3A_11 : vector<1x128xf32> to vector<1024x128xf32>
    %add3A_12 = arith.addf %dot_general3A_8, %add3A : vector<1024x128xf32>
    %ge3A = arith.constant 0.000000e+00 : f32
    %ge3A_13 = vector.broadcast %ge3A : f32 to vector<1024x128xf32>
    %ge3A_14 = arith.cmpf oge, %add3A_12, %ge3A_13 : vector<1024x128xf32>
    %mul3A = arith.constant 0.00999999977 : f32
    %mul3A_15 = vector.broadcast %mul3A : f32 to vector<1024x128xf32>
    %mul3A_16 = arith.mulf %mul3A_15, %add3A_12 : vector<1024x128xf32>
    %select_n3A = arith.select %ge3A_14, %add3A_12, %mul3A_16 : vector<1024x128xi1>, vector<1024x128xf32>
    %get3A_17 = arith.constant 0 : index
    %get3A_18 = arith.constant 0 : index
    %get3A_19 = vector.load %arg5[%get3A_17, %get3A_18] : memref<128x8xf32, #tpu.memory_space<vmem>>, vector<128x8xf32>
    %dot_general3A_20 = arith.constant dense<0.000000e+00> : vector<1024x8xf32>
    %dot_general3A_21 = tpu.matmul %select_n3A, %get3A_19, %dot_general3A_20 {dimension_numbers = #tpu.dot_dimension_numbers<[1], [0], [0], [1], [0, 0, 1, 1], [], []>, transpose_lhs_hint = false} : vector<1024x128xf32>, vector<128x8xf32>, vector<1024x8xf32> -> vector<1024x8xf32>
    %get3A_22 = arith.constant 0 : index
    %get3A_23 = arith.constant 0 : index
    %get3A_24 = vector.load %arg6[%get3A_22, %get3A_23] : memref<1x8xf32, #tpu.memory_space<vmem>>, vector<1x8xf32>
    %add3A_25 = vector.broadcast %get3A_24 : vector<1x8xf32> to vector<1024x8xf32>
    %add3A_26 = arith.addf %dot_general3A_21, %add3A_25 : vector<1024x8xf32>
    %tanh3A = math.tanh %add3A_26 : vector<1024x8xf32>
    %get3A_27 = arith.constant 0 : index
    %get3A_28 = arith.constant 0 : index
    %get3A_29 = vector.load %arg7[%get3A_27, %get3A_28] : memref<8x128xf32, #tpu.memory_space<vmem>>, vector<8x128xf32>
    %dot_general3A_30 = arith.constant dense<0.000000e+00> : vector<1024x128xf32>
    %dot_general3A_31 = tpu.matmul %get3A_4, %get3A_29, %dot_general3A_30 {dimension_numbers = #tpu.dot_dimension_numbers<[1], [0], [0], [1], [0, 0, 1, 1], [], []>, transpose_lhs_hint = false} : vector<1024x8xf32>, vector<8x128xf32>, vector<1024x128xf32> -> vector<1024x128xf32>
    %get3A_32 = arith.constant 0 : index
    %get3A_33 = arith.constant 0 : index
    %get3A_34 = vector.load %arg8[%get3A_32, %get3A_33] : memref<128x128xf32, #tpu.memory_space<vmem>>, vector<128x128xf32>
    %dot_general3A_35 = arith.constant dense<0.000000e+00> : vector<1024x128xf32>
    %dot_general3A_36 = tpu.matmul %get3A_1, %get3A_34, %dot_general3A_35 {dimension_numbers = #tpu.dot_dimension_numbers<[1], [0], [0], [1], [0, 0, 1, 1], [], []>, transpose_lhs_hint = false} : vector<1024x128xf32>, vector<128x128xf32>, vector<1024x128xf32> -> vector<1024x128xf32>
    %add3A_37 = arith.addf %dot_general3A_31, %dot_general3A_36 : vector<1024x128xf32>
    %get3A_38 = arith.constant 0 : index
    %get3A_39 = arith.constant 0 : index
    %get3A_40 = vector.load %arg9[%get3A_38, %get3A_39] : memref<1x128xf32, #tpu.memory_space<vmem>>, vector<1x128xf32>
    %add3A_41 = vector.broadcast %get3A_40 : vector<1x128xf32> to vector<1024x128xf32>
    %add3A_42 = arith.addf %add3A_37, %add3A_41 : vector<1024x128xf32>
    %swap3A = arith.constant 0 : index
    %swap3A_43 = arith.constant 0 : index
    %swap3A_44 = vector.load %arg10[%swap3A, %swap3A_43] : memref<1024x128xf32, #tpu.memory_space<vmem>>, vector<1024x128xf32>
    tpu.vector_store %arg10[%swap3A, %swap3A_43], %add3A_42 {strides = array<i32>} : memref<1024x128xf32, #tpu.memory_space<vmem>>, vector<1024x128xf32>,
    %sub3A = arith.subf %tanh3A, %get3A_4 : vector<1024x8xf32>
    %get3A_45 = arith.constant 0 : index
    %get3A_46 = arith.constant 0 : index
    %get3A_47 = vector.load %arg7[%get3A_45, %get3A_46] : memref<8x128xf32, #tpu.memory_space<vmem>>, vector<8x128xf32>
    %dot_general3A_48 = arith.constant dense<0.000000e+00> : vector<1024x128xf32>
    %dot_general3A_49 = tpu.matmul %sub3A, %get3A_47, %dot_general3A_48 {dimension_numbers = #tpu.dot_dimension_numbers<[1], [0], [0], [1], [0, 0, 1, 1], [], []>, transpose_lhs_hint = false} : vector<1024x8xf32>, vector<8x128xf32>, vector<1024x128xf32> -> vector<1024x128xf32>
    %swap3A_50 = arith.constant 0 : index
    %swap3A_51 = arith.constant 0 : index
    %swap3A_52 = vector.load %arg11[%swap3A_50, %swap3A_51] : memref<1024x128xf32, #tpu.memory_space<vmem>>, vector<1024x128xf32>
    tpu.vector_store %arg11[%swap3A_50, %swap3A_51], %dot_general3A_49 {strides = array<i32>} : memref<1024x128xf32, #tpu.memory_space<vmem>>, vector<1024x128xf32>,
    return
  }
  func.func @transform_0(%arg0: i32) -> (i32, i32) {
    %c0_i32 = arith.constant 0 : i32
    %c0_i32_0 = arith.constant 0 : i32
    return %arg0, %c0_i32 : i32, i32
  }
  func.func @transform_1(%arg0: i32) -> (i32, i32) {
    %c0_i32 = arith.constant 0 : i32
    %c0_i32_0 = arith.constant 0 : i32
    return %arg0, %c0_i32 : i32, i32
  }
  func.func @transform_2(%arg0: i32) -> (i32, i32) {
    %c0_i32 = arith.constant 0 : i32
    %c0_i32_0 = arith.constant 0 : i32
    %c0_i32_1 = arith.constant 0 : i32
    return %c0_i32, %c0_i32_0 : i32, i32
  }
  func.func @transform_3(%arg0: i32) -> (i32, i32) {
    %c0_i32 = arith.constant 0 : i32
    %c0_i32_0 = arith.constant 0 : i32
    %c0_i32_1 = arith.constant 0 : i32
    return %c0_i32, %c0_i32_0 : i32, i32
  }
  func.func @transform_4(%arg0: i32) -> (i32, i32) {
    %c0_i32 = arith.constant 0 : i32
    %c0_i32_0 = arith.constant 0 : i32
    %c0_i32_1 = arith.constant 0 : i32
    return %c0_i32, %c0_i32_0 : i32, i32
  }
  func.func @transform_5(%arg0: i32) -> (i32, i32) {
    %c0_i32 = arith.constant 0 : i32
    %c0_i32_0 = arith.constant 0 : i32
    %c0_i32_1 = arith.constant 0 : i32
    return %c0_i32, %c0_i32_0 : i32, i32
  }
  func.func @transform_6(%arg0: i32) -> (i32, i32) {
    %c0_i32 = arith.constant 0 : i32
    %c0_i32_0 = arith.constant 0 : i32
    %c0_i32_1 = arith.constant 0 : i32
    return %c0_i32, %c0_i32_0 : i32, i32
  }
  func.func @transform_7(%arg0: i32) -> (i32, i32) {
    %c0_i32 = arith.constant 0 : i32
    %c0_i32_0 = arith.constant 0 : i32
    %c0_i32_1 = arith.constant 0 : i32
    return %c0_i32, %c0_i32_0 : i32, i32
  }
  func.func @transform_8(%arg0: i32) -> (i32, i32) {
    %c0_i32 = arith.constant 0 : i32
    %c0_i32_0 = arith.constant 0 : i32
    %c0_i32_1 = arith.constant 0 : i32
    return %c0_i32, %c0_i32_0 : i32, i32
  }
  func.func @transform_9(%arg0: i32) -> (i32, i32) {
    %c0_i32 = arith.constant 0 : i32
    %c0_i32_0 = arith.constant 0 : i32
    return %arg0, %c0_i32 : i32, i32
  }
  func.func @transform_10(%arg0: i32) -> (i32, i32) {
    %c0_i32 = arith.constant 0 : i32
    %c0_i32_0 = arith.constant 0 : i32
    return %arg0, %c0_i32 : i32, i32
  }
}

module attributes {stable_mosaic.version = 14 : i64} {
  func.func @_tc2a_body(%arg0: i32, %arg1: memref<1024x128xf32, #tpu.memory_space<vmem>>, %arg2: memref<1024x128xf32, #tpu.memory_space<vmem>>, %arg3: memref<1024x128xf32, #tpu.memory_space<vmem>>, %arg4: memref<1024x128xf32, #tpu.memory_space<vmem>>, %arg5: memref<128x128xf32, #tpu.memory_space<vmem>>, %arg6: memref<1x128xf32, #tpu.memory_space<vmem>>, %arg7: memref<128x128xf32, #tpu.memory_space<vmem>>, %arg8: memref<1x128xf32, #tpu.memory_space<vmem>>, %arg9: memref<1x1xf32, #tpu.memory_space<vmem>>, %arg10: memref<1024x128xf32, #tpu.memory_space<vmem>>, %arg11: memref<8x128xf32, #tpu.memory_space<vmem>>) attributes {dimension_semantics = [#tpu.dimension_semantics<arbitrary>], iteration_bounds = array<i64: 10>, scalar_prefetch = 0 : i64, scratch_operands = 0 : i64, tpu.core_type = #tpu.core_type<tc>, window_params = [{transform_indices = @transform_0, window_bounds = array<i64: 1024, 128>}, {transform_indices = @transform_1, window_bounds = array<i64: 1024, 128>}, {transform_indices = @transform_2, window_bounds = array<i64: 1024, 128>}, {transform_indices = @transform_3, window_bounds = array<i64: 1024, 128>}, {pipeline_mode = #tpu.pipeline_mode<synchronous>, transform_indices = @transform_4, window_bounds = array<i64: 128, 128>}, {pipeline_mode = #tpu.pipeline_mode<synchronous>, transform_indices = @transform_5, window_bounds = array<i64: 1, 128>}, {pipeline_mode = #tpu.pipeline_mode<synchronous>, transform_indices = @transform_6, window_bounds = array<i64: 128, 128>}, {pipeline_mode = #tpu.pipeline_mode<synchronous>, transform_indices = @transform_7, window_bounds = array<i64: 1, 128>}, {pipeline_mode = #tpu.pipeline_mode<synchronous>, transform_indices = @transform_8, window_bounds = array<i64: 1, 1>}, {transform_indices = @transform_9, window_bounds = array<i64: 1024, 128>}, {pipeline_mode = #tpu.pipeline_mode<synchronous>, transform_indices = @transform_10, window_bounds = array<i64: 8, 128>}]} {
    %get3A = arith.constant 0 : index
    %get3A_0 = arith.constant 0 : index
    %get3A_1 = vector.load %arg1[%get3A, %get3A_0] : memref<1024x128xf32, #tpu.memory_space<vmem>>, vector<1024x128xf32>
    %eq3A = arith.constant 0xFF800000 : f32
    %eq3A_2 = vector.broadcast %eq3A : f32 to vector<1024x128xf32>
    %eq3A_3 = arith.cmpf oeq, %get3A_1, %eq3A_2 : vector<1024x128xf32>
    %get3A_4 = arith.constant 0 : index
    %get3A_5 = arith.constant 0 : index
    %get3A_6 = vector.load %arg2[%get3A_4, %get3A_5] : memref<1024x128xf32, #tpu.memory_space<vmem>>, vector<1024x128xf32>
    %add3A = arith.addf %get3A_1, %get3A_6 : vector<1024x128xf32>
    %ge3A = arith.constant 0.000000e+00 : f32
    %ge3A_7 = vector.broadcast %ge3A : f32 to vector<1024x128xf32>
    %ge3A_8 = arith.cmpf oge, %add3A, %ge3A_7 : vector<1024x128xf32>
    %mul3A = arith.constant 0.00999999977 : f32
    %mul3A_9 = vector.broadcast %mul3A : f32 to vector<1024x128xf32>
    %mul3A_10 = arith.mulf %mul3A_9, %add3A : vector<1024x128xf32>
    %select_n3A = arith.select %ge3A_8, %add3A, %mul3A_10 : vector<1024x128xi1>, vector<1024x128xf32>
    %jit3A = arith.constant 0.000000e+00 : f32
    %broadcast_in_dim3A = vector.broadcast %jit3A : f32 to vector<1024x128xf32>
    %select_n3A_11 = arith.select %eq3A_3, %broadcast_in_dim3A, %select_n3A : vector<1024x128xi1>, vector<1024x128xf32>
    %get3A_12 = arith.constant 0 : index
    %get3A_13 = arith.constant 0 : index
    %get3A_14 = vector.load %arg5[%get3A_12, %get3A_13] : memref<128x128xf32, #tpu.memory_space<vmem>>, vector<128x128xf32>
    %dot_general3A = arith.constant dense<0.000000e+00> : vector<1024x128xf32>
    %dot_general3A_15 = tpu.matmul %select_n3A_11, %get3A_14, %dot_general3A {dimension_numbers = #tpu.dot_dimension_numbers<[1], [0], [0], [1], [0, 0, 1, 1], [], []>, transpose_lhs_hint = false} : vector<1024x128xf32>, vector<128x128xf32>, vector<1024x128xf32> -> vector<1024x128xf32>
    %get3A_16 = arith.constant 0 : index
    %get3A_17 = arith.constant 0 : index
    %get3A_18 = vector.load %arg6[%get3A_16, %get3A_17] : memref<1x128xf32, #tpu.memory_space<vmem>>, vector<1x128xf32>
    %add3A_19 = vector.broadcast %get3A_18 : vector<1x128xf32> to vector<1024x128xf32>
    %add3A_20 = arith.addf %dot_general3A_15, %add3A_19 : vector<1024x128xf32>
    %ge3A_21 = arith.constant 0.000000e+00 : f32
    %ge3A_22 = vector.broadcast %ge3A_21 : f32 to vector<1024x128xf32>
    %ge3A_23 = arith.cmpf oge, %add3A_20, %ge3A_22 : vector<1024x128xf32>
    %mul3A_24 = arith.constant 0.00999999977 : f32
    %mul3A_25 = vector.broadcast %mul3A_24 : f32 to vector<1024x128xf32>
    %mul3A_26 = arith.mulf %mul3A_25, %add3A_20 : vector<1024x128xf32>
    %select_n3A_27 = arith.select %ge3A_23, %add3A_20, %mul3A_26 : vector<1024x128xi1>, vector<1024x128xf32>
    %get3A_28 = arith.constant 0 : index
    %get3A_29 = arith.constant 0 : index
    %get3A_30 = vector.load %arg7[%get3A_28, %get3A_29] : memref<128x128xf32, #tpu.memory_space<vmem>>, vector<128x128xf32>
    %dot_general3A_31 = arith.constant dense<0.000000e+00> : vector<1024x128xf32>
    %dot_general3A_32 = tpu.matmul %select_n3A_27, %get3A_30, %dot_general3A_31 {dimension_numbers = #tpu.dot_dimension_numbers<[1], [0], [0], [1], [0, 0, 1, 1], [], []>, transpose_lhs_hint = false} : vector<1024x128xf32>, vector<128x128xf32>, vector<1024x128xf32> -> vector<1024x128xf32>
    %get3A_33 = arith.constant 0 : index
    %get3A_34 = arith.constant 0 : index
    %get3A_35 = vector.load %arg8[%get3A_33, %get3A_34] : memref<1x128xf32, #tpu.memory_space<vmem>>, vector<1x128xf32>
    %add3A_36 = vector.broadcast %get3A_35 : vector<1x128xf32> to vector<1024x128xf32>
    %add3A_37 = arith.addf %dot_general3A_32, %add3A_36 : vector<1024x128xf32>
    %get3A_38 = arith.constant 0 : index
    %get3A_39 = arith.constant 0 : index
    %get3A_40 = vector.load %arg3[%get3A_38, %get3A_39] : memref<1024x128xf32, #tpu.memory_space<vmem>>, vector<1024x128xf32>
    %add3A_41 = arith.addf %get3A_40, %add3A_37 : vector<1024x128xf32>
    %get3A_42 = arith.constant 0 : index
    %get3A_43 = arith.constant 0 : index
    %get3A_44 = vector.load %arg4[%get3A_42, %get3A_43] : memref<1024x128xf32, #tpu.memory_space<vmem>>, vector<1024x128xf32>
    %get3A_45 = arith.constant 0 : index
    %get3A_46 = arith.constant 0 : index
    %get3A_47 = vector.load %arg9[%get3A_45, %get3A_46] : memref<1x1xf32, #tpu.memory_space<vmem>>, vector<1x1xf32>
    %get3A_48 = vector.extract %get3A_47[0, 0] : f32 from vector<1x1xf32>
    %mul3A_49 = vector.broadcast %get3A_48 : f32 to vector<1024x128xf32>
    %mul3A_50 = arith.mulf %get3A_44, %mul3A_49 : vector<1024x128xf32>
    %add3A_51 = arith.addf %add3A_41, %mul3A_50 : vector<1024x128xf32>
    %ge3A_52 = arith.constant 0.000000e+00 : f32
    %ge3A_53 = vector.broadcast %ge3A_52 : f32 to vector<1024x128xf32>
    %ge3A_54 = arith.cmpf oge, %add3A_51, %ge3A_53 : vector<1024x128xf32>
    %mul3A_55 = arith.constant 0.00999999977 : f32
    %mul3A_56 = vector.broadcast %mul3A_55 : f32 to vector<1024x128xf32>
    %mul3A_57 = arith.mulf %mul3A_56, %add3A_51 : vector<1024x128xf32>
    %select_n3A_58 = arith.select %ge3A_54, %add3A_51, %mul3A_57 : vector<1024x128xi1>, vector<1024x128xf32>
    %mul3A_59 = arith.constant 1024 : i32
    %mul3A_60 = arith.muli %arg0, %mul3A_59 : i32
    %iota3A = tpu.iota {dimensions = array<i32: 0>} : vector<1024x1xi32>
    %add3A_61 = vector.broadcast %mul3A_60 : i32 to vector<1024x1xi32>
    %add3A_62 = arith.addi %add3A_61, %iota3A : vector<1024x1xi32>
    %lt3A = arith.constant 10000 : i32
    %lt3A_63 = vector.broadcast %lt3A : i32 to vector<1024x1xi32>
    %lt3A_64 = arith.cmpi slt, %add3A_62, %lt3A_63 : vector<1024x1xi32>
    %jit3A_65 = arith.constant 0.000000e+00 : f32
    %broadcast_in_dim3A_66 = vector.shape_cast %lt3A_64 : vector<1024x1xi1> to vector<1024x1xi1>
    %broadcast_in_dim3A_67 = vector.broadcast %broadcast_in_dim3A_66 : vector<1024x1xi1> to vector<1024x128xi1>
    %broadcast_in_dim3A_68 = vector.broadcast %jit3A_65 : f32 to vector<1024x128xf32>
    %select_n3A_69 = arith.select %broadcast_in_dim3A_67, %select_n3A_58, %broadcast_in_dim3A_68 : vector<1024x128xi1>, vector<1024x128xf32>
    %swap3A = arith.constant 0 : index
    %swap3A_70 = arith.constant 0 : index
    %swap3A_71 = vector.load %arg10[%swap3A, %swap3A_70] : memref<1024x128xf32, #tpu.memory_space<vmem>>, vector<1024x128xf32>
    tpu.vector_store %arg10[%swap3A, %swap3A_70], %select_n3A_69 {strides = array<i32>} : memref<1024x128xf32, #tpu.memory_space<vmem>>, vector<1024x128xf32>,
    %reduce_sum3A = arith.constant dense<0.000000e+00> : vector<128xf32>
    %reduce_sum3A_72 = vector.multi_reduction <add>, %select_n3A_69, %reduce_sum3A [0] : vector<1024x128xf32> to vector<128xf32>
    %broadcast_in_dim3A_73 = vector.shape_cast %reduce_sum3A_72 : vector<128xf32> to vector<1x128xf32>
    %mul3A_74 = arith.mulf %select_n3A_69, %select_n3A_69 : vector<1024x128xf32>
    %reduce_sum3A_75 = arith.constant dense<0.000000e+00> : vector<128xf32>
    %reduce_sum3A_76 = vector.multi_reduction <add>, %mul3A_74, %reduce_sum3A_75 [0] : vector<1024x128xf32> to vector<128xf32>
    %broadcast_in_dim3A_77 = vector.shape_cast %reduce_sum3A_76 : vector<128xf32> to vector<1x128xf32>
    %eq3A_78 = arith.constant 0 : i32
    %eq3A_79 = arith.cmpi eq, %arg0, %eq3A_78 : i32
    %convert_element_type3A = arith.extui %eq3A_79 : i1 to i32
    %cond3A = arith.constant 0 : i32
    %cond3A_80 = arith.cmpi ne, %convert_element_type3A, %cond3A : i32
    scf.if %cond3A_80 {
      %broadcast_in_dim3A_95 = arith.constant 0.000000e+00 : f32
      %broadcast_in_dim3A_96 = vector.broadcast %broadcast_in_dim3A_95 : f32 to vector<8x128xf32>
      %swap3A_97 = arith.constant 0 : index
      %swap3A_98 = arith.constant 0 : index
      %swap3A_99 = vector.load %arg11[%swap3A_97, %swap3A_98] : memref<8x128xf32, #tpu.memory_space<vmem>>, vector<8x128xf32>
      tpu.vector_store %arg11[%swap3A_97, %swap3A_98], %broadcast_in_dim3A_96 {strides = array<i32>} : memref<8x128xf32, #tpu.memory_space<vmem>>, vector<8x128xf32>,
    } else {
    }
    %get3A_81 = arith.constant 0 : index
    %get3A_82 = arith.constant 0 : index
    %get3A_83 = vector.load %arg11[%get3A_81, %get3A_82] : memref<8x128xf32, #tpu.memory_space<vmem>>, vector<1x128xf32>
    %add3A_84 = arith.addf %get3A_83, %broadcast_in_dim3A_73 : vector<1x128xf32>
    %swap3A_85 = arith.constant 0 : index
    %swap3A_86 = arith.constant 0 : index
    %swap3A_87 = vector.load %arg11[%swap3A_85, %swap3A_86] : memref<8x128xf32, #tpu.memory_space<vmem>>, vector<1x128xf32>
    tpu.vector_store %arg11[%swap3A_85, %swap3A_86], %add3A_84 {strides = array<i32>} : memref<8x128xf32, #tpu.memory_space<vmem>>, vector<1x128xf32>,
    %get3A_88 = arith.constant 1 : index
    %get3A_89 = arith.constant 0 : index
    %get3A_90 = vector.load %arg11[%get3A_88, %get3A_89] : memref<8x128xf32, #tpu.memory_space<vmem>>, vector<1x128xf32>
    %add3A_91 = arith.addf %get3A_90, %broadcast_in_dim3A_77 : vector<1x128xf32>
    %swap3A_92 = arith.constant 1 : index
    %swap3A_93 = arith.constant 0 : index
    %swap3A_94 = vector.load %arg11[%swap3A_92, %swap3A_93] : memref<8x128xf32, #tpu.memory_space<vmem>>, vector<1x128xf32>
    tpu.vector_store %arg11[%swap3A_92, %swap3A_93], %add3A_91 {strides = array<i32>} : memref<8x128xf32, #tpu.memory_space<vmem>>, vector<1x128xf32>,
    return
  }
  func.func @transform_0(%arg0: i32) -> (i32, i32) {
    %c0_i32 = arith.constant 0 : i32
    %c0_i32_0 = arith.constant 0 : i32
    return %arg0, %c0_i32 : i32, i32
  }
  func.func @transform_1(%arg0: i32) -> (i32, i32) {
    %c0_i32 = arith.constant 0 : i32
    %c0_i32_0 = arith.constant 0 : i32
    return %arg0, %c0_i32 : i32, i32
  }
  func.func @transform_2(%arg0: i32) -> (i32, i32) {
    %c0_i32 = arith.constant 0 : i32
    %c0_i32_0 = arith.constant 0 : i32
    return %arg0, %c0_i32 : i32, i32
  }
  func.func @transform_3(%arg0: i32) -> (i32, i32) {
    %c0_i32 = arith.constant 0 : i32
    %c0_i32_0 = arith.constant 0 : i32
    return %arg0, %c0_i32 : i32, i32
  }
  func.func @transform_4(%arg0: i32) -> (i32, i32) {
    %c0_i32 = arith.constant 0 : i32
    %c0_i32_0 = arith.constant 0 : i32
    %c0_i32_1 = arith.constant 0 : i32
    return %c0_i32, %c0_i32_0 : i32, i32
  }
  func.func @transform_5(%arg0: i32) -> (i32, i32) {
    %c0_i32 = arith.constant 0 : i32
    %c0_i32_0 = arith.constant 0 : i32
    %c0_i32_1 = arith.constant 0 : i32
    return %c0_i32, %c0_i32_0 : i32, i32
  }
  func.func @transform_6(%arg0: i32) -> (i32, i32) {
    %c0_i32 = arith.constant 0 : i32
    %c0_i32_0 = arith.constant 0 : i32
    %c0_i32_1 = arith.constant 0 : i32
    return %c0_i32, %c0_i32_0 : i32, i32
  }
  func.func @transform_7(%arg0: i32) -> (i32, i32) {
    %c0_i32 = arith.constant 0 : i32
    %c0_i32_0 = arith.constant 0 : i32
    %c0_i32_1 = arith.constant 0 : i32
    return %c0_i32, %c0_i32_0 : i32, i32
  }
  func.func @transform_8(%arg0: i32) -> (i32, i32) {
    %c0_i32 = arith.constant 0 : i32
    %c0_i32_0 = arith.constant 0 : i32
    %c0_i32_1 = arith.constant 0 : i32
    return %c0_i32, %c0_i32_0 : i32, i32
  }
  func.func @transform_9(%arg0: i32) -> (i32, i32) {
    %c0_i32 = arith.constant 0 : i32
    %c0_i32_0 = arith.constant 0 : i32
    return %arg0, %c0_i32 : i32, i32
  }
  func.func @transform_10(%arg0: i32) -> (i32, i32) {
    %c0_i32 = arith.constant 0 : i32
    %c0_i32_0 = arith.constant 0 : i32
    %c0_i32_1 = arith.constant 0 : i32
    return %c0_i32, %c0_i32_0 : i32, i32
  }
}

module attributes {stable_mosaic.version = 14 : i64} {
  func.func @_tc2b_body(%arg0: i32, %arg1: memref<1024x128xf32, #tpu.memory_space<vmem>>, %arg2: memref<8x128xf32, #tpu.memory_space<vmem>>, %arg3: memref<1024x128xf32, #tpu.memory_space<vmem>>, %arg4: memref<128x256xf32, #tpu.memory_space<vmem>>, %arg5: memref<1x256xf32, #tpu.memory_space<vmem>>, %arg6: memref<1024x128xf32, #tpu.memory_space<vmem>>) attributes {dimension_semantics = [#tpu.dimension_semantics<arbitrary>], iteration_bounds = array<i64: 10>, scalar_prefetch = 0 : i64, scratch_operands = 0 : i64, tpu.core_type = #tpu.core_type<tc>, window_params = [{transform_indices = @transform_0, window_bounds = array<i64: 1024, 128>}, {pipeline_mode = #tpu.pipeline_mode<synchronous>, transform_indices = @transform_1, window_bounds = array<i64: 8, 128>}, {transform_indices = @transform_2, window_bounds = array<i64: 1024, 128>}, {pipeline_mode = #tpu.pipeline_mode<synchronous>, transform_indices = @transform_3, window_bounds = array<i64: 128, 256>}, {pipeline_mode = #tpu.pipeline_mode<synchronous>, transform_indices = @transform_4, window_bounds = array<i64: 1, 256>}, {transform_indices = @transform_5, window_bounds = array<i64: 1024, 128>}]} {
    %get3A = arith.constant 0 : index
    %get3A_0 = arith.constant 0 : index
    %get3A_1 = vector.load %arg2[%get3A, %get3A_0] : memref<8x128xf32, #tpu.memory_space<vmem>>, vector<1x128xf32>
    %get3A_2 = arith.constant 1 : index
    %get3A_3 = arith.constant 0 : index
    %get3A_4 = vector.load %arg2[%get3A_2, %get3A_3] : memref<8x128xf32, #tpu.memory_space<vmem>>, vector<1x128xf32>
    %mul3A = arith.constant 9.99999974E-5 : f32
    %mul3A_5 = vector.broadcast %mul3A : f32 to vector<1x128xf32>
    %mul3A_6 = arith.mulf %get3A_1, %mul3A_5 : vector<1x128xf32>
    %mul3A_7 = arith.constant 9.99999974E-5 : f32
    %mul3A_8 = vector.broadcast %mul3A_7 : f32 to vector<1x128xf32>
    %mul3A_9 = arith.mulf %get3A_4, %mul3A_8 : vector<1x128xf32>
    %mul3A_10 = arith.mulf %mul3A_6, %mul3A_6 : vector<1x128xf32>
    %sub3A = arith.subf %mul3A_9, %mul3A_10 : vector<1x128xf32>
    %add3A = arith.constant 9.99999974E-6 : f32
    %add3A_11 = vector.broadcast %add3A : f32 to vector<1x128xf32>
    %add3A_12 = arith.addf %sub3A, %add3A_11 : vector<1x128xf32>
    %rsqrt3A = math.rsqrt %add3A_12 : vector<1x128xf32>
    %get3A_13 = arith.constant 0 : index
    %get3A_14 = arith.constant 0 : index
    %get3A_15 = vector.load %arg3[%get3A_13, %get3A_14] : memref<1024x128xf32, #tpu.memory_space<vmem>>, vector<1024x128xf32>
    %get3A_16 = arith.constant 0 : index
    %get3A_17 = arith.constant 0 : index
    %get3A_18 = vector.load %arg4[%get3A_16, %get3A_17] : memref<128x256xf32, #tpu.memory_space<vmem>>, vector<128x256xf32>
    %dot_general3A = arith.constant dense<0.000000e+00> : vector<1024x256xf32>
    %dot_general3A_19 = tpu.matmul %get3A_15, %get3A_18, %dot_general3A {dimension_numbers = #tpu.dot_dimension_numbers<[1], [0], [0], [1], [0, 0, 1, 1], [], []>, transpose_lhs_hint = false} : vector<1024x128xf32>, vector<128x256xf32>, vector<1024x256xf32> -> vector<1024x256xf32>
    %get3A_20 = arith.constant 0 : index
    %get3A_21 = arith.constant 0 : index
    %get3A_22 = vector.load %arg5[%get3A_20, %get3A_21] : memref<1x256xf32, #tpu.memory_space<vmem>>, vector<1x256xf32>
    %add3A_23 = vector.broadcast %get3A_22 : vector<1x256xf32> to vector<1024x256xf32>
    %add3A_24 = arith.addf %dot_general3A_19, %add3A_23 : vector<1024x256xf32>
    %slice3A = vector.extract_strided_slice %add3A_24 {offsets = [0, 0], sizes = [1024, 128], strides = [1, 1]} : vector<1024x256xf32> to vector<1024x128xf32>
    %slice3A_25 = vector.extract_strided_slice %add3A_24 {offsets = [0, 128], sizes = [1024, 128], strides = [1, 1]} : vector<1024x256xf32> to vector<1024x128xf32>
    %get3A_26 = arith.constant 0 : index
    %get3A_27 = arith.constant 0 : index
    %get3A_28 = vector.load %arg1[%get3A_26, %get3A_27] : memref<1024x128xf32, #tpu.memory_space<vmem>>, vector<1024x128xf32>
    %sub3A_29 = vector.broadcast %mul3A_6 : vector<1x128xf32> to vector<1024x128xf32>
    %sub3A_30 = arith.subf %get3A_28, %sub3A_29 : vector<1024x128xf32>
    %mul3A_31 = vector.broadcast %rsqrt3A : vector<1x128xf32> to vector<1024x128xf32>
    %mul3A_32 = arith.mulf %sub3A_30, %mul3A_31 : vector<1024x128xf32>
    %mul3A_33 = arith.mulf %slice3A, %mul3A_32 : vector<1024x128xf32>
    %add3A_34 = arith.addf %mul3A_33, %slice3A_25 : vector<1024x128xf32>
    %swap3A = arith.constant 0 : index
    %swap3A_35 = arith.constant 0 : index
    %swap3A_36 = vector.load %arg6[%swap3A, %swap3A_35] : memref<1024x128xf32, #tpu.memory_space<vmem>>, vector<1024x128xf32>
    tpu.vector_store %arg6[%swap3A, %swap3A_35], %add3A_34 {strides = array<i32>} : memref<1024x128xf32, #tpu.memory_space<vmem>>, vector<1024x128xf32>,
    return
  }
  func.func @transform_0(%arg0: i32) -> (i32, i32) {
    %c0_i32 = arith.constant 0 : i32
    %c0_i32_0 = arith.constant 0 : i32
    return %arg0, %c0_i32 : i32, i32
  }
  func.func @transform_1(%arg0: i32) -> (i32, i32) {
    %c0_i32 = arith.constant 0 : i32
    %c0_i32_0 = arith.constant 0 : i32
    %c0_i32_1 = arith.constant 0 : i32
    return %c0_i32, %c0_i32_0 : i32, i32
  }
  func.func @transform_2(%arg0: i32) -> (i32, i32) {
    %c0_i32 = arith.constant 0 : i32
    %c0_i32_0 = arith.constant 0 : i32
    return %arg0, %c0_i32 : i32, i32
  }
  func.func @transform_3(%arg0: i32) -> (i32, i32) {
    %c0_i32 = arith.constant 0 : i32
    %c0_i32_0 = arith.constant 0 : i32
    %c0_i32_1 = arith.constant 0 : i32
    return %c0_i32, %c0_i32_0 : i32, i32
  }
  func.func @transform_4(%arg0: i32) -> (i32, i32) {
    %c0_i32 = arith.constant 0 : i32
    %c0_i32_0 = arith.constant 0 : i32
    %c0_i32_1 = arith.constant 0 : i32
    return %c0_i32, %c0_i32_0 : i32, i32
  }
  func.func @transform_5(%arg0: i32) -> (i32, i32) {
    %c0_i32 = arith.constant 0 : i32
    %c0_i32_0 = arith.constant 0 : i32
    return %arg0, %c0_i32 : i32, i32
  }
}

</mosaic_0001>

<sc_bundles>
// kernel: kernel.6.cloned.1.call-start
scs
__scs_entry_jumppad:
0x0: {  	(pc) =	sbr.rel $0x88, $3  }
0x1: {  	(tag) =	ssettag $0x0;
	lr =	simm.s32 $0x1  }
0x2: {  	[smem:$0x3F8F] =	sst lr;
	_ =	strace $0xD0000000  }
0x3: {  	_ = 	snop  }
0x4: {  	_ = 	snop  }
0x5: {  	_ = 	snop  }
0x6: {  	_ = 	snop  }
0x7: {  	_ = 	snop  }
__scs_overlays_trampoline_lowered:
0x8: {  	[smem:$0x3F9E] =	sst s0  }
0x9: {  	[smem:$0x3F9F] =	sst s1  }
0xa: {  	[smem:$0x3FA0] =	sst s2  }
0xb: {  	[smem:$0x3FA1] =	sst s3  }
0xc: {  	[smem:$0x3FA2] =	sst s4  }
0xd: {  	[smem:$0x3FA3] =	sst s5  }
0xe: {  	[smem:$0x3FA4] =	sst s6  }
0xf: {  	[smem:$0x3FA5] =	sst s7  }
0x10: {  	[smem:$0x3FA6] =	sst s8  }
0x11: {  	[smem:$0x3FA7] =	sst s9;
	s0 =	simm.s32 @!p0 $0x0  }
0x12: {  	s1 =	sld [smem:$0x3F8D];
	s0 =	simm.s32 @p0 $0x1  }
0x13: {  	[smem:$0x3FA8] =	sst s0;
	s0 =	simm.s32 @!p1 $0x0  }
0x14: {  	s2 =	sld [smem:$0x3F8C];
	s0 =	simm.s32 @p1 $0x1  }
0x15: {  	[smem:$0x3FA9] =	sst s0;
	s0 =	simm.s32 @!p2 $0x0  }
0x16: {  	s3 =	sld [smem:$0x3FDB];
	s0 =	simm.s32 @p2 $0x1  }
0x17: {  	s4 =	simm.s32 $0x1BF5;
	[smem:$0x3FAB] =	sst s0  }
0x18: {  	s0 =	sld [smem:$0x3F8E];
	_ =	swait.ge [sflag:s4], $0x0  }
0x19: {  	s7 =	sld [smem:$0x3F8F]  }
0x1a: {  	s8 =	sadd.s32 $0xFFFFE003, lr  }
0x1b: {  	s9 =	sadd.s32 $0xFFFFFEF7, lr;
	s5 =	simm.s32 $0xFFFFFFFF;
	p2 =	slt.u32 s8, $0xFFFFF086  }
0x1c: {  	p1 =	slt.u32 s9, $0xF7A;
	s5 =	simm.s32 @!p2 $0x0  }
0x1d: {  	s5 =	simm.s32 @p1 $0x1;
	p0 =	seq.s32 s7, s2  }
0x1e: {  	s7 =	smul.u32 @!p0 $0xF7A, s2;
	p2 =	seq.s32 @!p0 s5, $0x0  }
0x1f: {  	s9 =	smul.u32 $0xF7A, s1;
	s8 =	simm.s32 @!p0 $0x1BF5;
	p2 =	por !p2, p0  }
0x20: {  	[sflag:s8] =	ssyncset.s32 @!p0 $0xFFFFF086;
	s6 =	sadd.s32 @!p0 s3, s7;
	s7 =	simm.s32 @!p0 $0x108  }
0x21: {  	s3 =	sadd.s32 s3, s9;
	s6 =	sadd.s32 @!p0 $0x88, s6;
	s7 =	simm.s32 @p2 $0x1082  }
0x22: {  	[simem:s7], [sflag:s8] =	dma.local @!p0 [hbm:s6], $0xF7A  }
0x23: {  	s9 =	sor.u32 $0xD0000000, s2;
	s6 =	simm.s32 $0x108;
	_ =	swait.ge @!p0 [sflag:s8], $0x0  }
0x24: {  	s3 =	sadd.s32 $0x88, s3;
	s6 =	simm.s32 @!p1 $0x1082;
	[sflag:s4] =	ssyncset.s32 $0xFFFFF086  }
0x25: {  	[simem:s6], [sflag:s4] =	dma.local [hbm:s3], $0xF7A  }
0x26: {  	[smem:$0x3F8F] =	sst s1;
	(tag) =	ssettag s2;
	_ =	strace s9  }
0x27: {  	s1 =	sld [smem:$0x3F9F]  }
0x28: {  	s2 =	sld [smem:$0x3FA0]  }
0x29: {  	s4 =	sld [smem:$0x3FA2]  }
0x2a: {  	p0 =	seq.s32 s5, $0x0;
	s5 =	sld [smem:$0x3FA3]  }
0x2b: {  	s6 =	sld [smem:$0x3FA4]  }
0x2c: {  	s7 =	sld [smem:$0x3FA5]  }
0x2d: {  	s3 =	simm.s32 $0x108;
	s8 =	sld [smem:$0x3FA6]  }
0x2e: {  	s3 =	simm.s32 @!p0 $0x1082;
	s9 =	sld [smem:$0x3FA7]  }
0x2f: {  	lr =	sadd.s32 s0, s3;
	s0 =	sld [smem:$0x3F9E]  }
0x30: {  	s3 =	sld [smem:$0x3FA1]  }
0x31: {  	[smem:$0x3FAA] =	sst s10  }
0x32: {  	s10 =	sld [smem:$0x3FA8];
	_ =	sdelay $0x3  }
0x33: {  	p0 =	seq.s32 s10, $0x1;
	s10 =	sld [smem:$0x3FAA];
	_ =	sdelay $0x3  }
0x34: {  	[smem:$0x3FAA] =	sst s10  }
0x35: {  	s10 =	sld [smem:$0x3FA9];
	_ =	sdelay $0x3  }
0x36: {  	p1 =	seq.s32 s10, $0x1;
	s10 =	sld [smem:$0x3FAA];
	_ =	sdelay $0x3  }
0x37: {  	[smem:$0x3FAA] =	sst s10  }
0x38: {  	s10 =	sld [smem:$0x3FAB]  }
0x39: {  	_ = 	snop;
	(pc) =	sbr.ind lr, $3  }
0x3a: {  	_ = 	snop  }
0x3b: {  	_ = 	snop  }
0x3c: {  	p2 =	seq.s32 s10, $0x1;
	s10 =	sld [smem:$0x3FAA]  }
0x3d: {  	_ =	shalt  }
0x3e: {  	_ =	shalt  }
0x3f: {  	_ =	shalt  }
0x40: {  	_ =	shalt  }
0x41: {  	_ =	shalt  }
0x42: {  	_ =	shalt  }
0x43: {  	_ =	shalt  }
0x44: {  	_ =	shalt  }
0x45: {  	_ =	shalt  }
0x46: {  	_ =	shalt  }
0x47: {  	_ =	shalt  }
0x48: {  	_ =	shalt  }
0x49: {  	_ =	shalt  }
0x4a: {  	_ =	shalt  }
0x4b: {  	_ =	shalt  }
0x4c: {  	_ =	shalt  }
0x4d: {  	_ =	shalt  }
0x4e: {  	_ =	shalt  }
0x4f: {  	_ =	shalt  }
0x50: {  	_ =	shalt  }
0x51: {  	_ =	shalt  }
0x52: {  	_ =	shalt  }
0x53: {  	_ =	shalt  }
0x54: {  	_ =	shalt  }
0x55: {  	_ =	shalt  }
0x56: {  	_ =	shalt  }
0x57: {  	_ =	shalt  }
0x58: {  	_ =	shalt  }
0x59: {  	_ =	shalt  }
0x5a: {  	_ =	shalt  }
0x5b: {  	_ =	shalt  }
0x5c: {  	_ =	shalt  }
0x5d: {  	_ =	shalt  }
0x5e: {  	_ =	shalt  }
0x5f: {  	_ =	shalt  }
0x60: {  	_ =	shalt  }
0x61: {  	_ =	shalt  }
0x62: {  	_ =	shalt  }
0x63: {  	_ =	shalt  }
0x64: {  	_ =	shalt  }
0x65: {  	_ =	shalt  }
0x66: {  	_ =	shalt  }
0x67: {  	_ =	shalt  }
0x68: {  	_ =	shalt  }
0x69: {  	_ =	shalt  }
0x6a: {  	_ =	shalt  }
0x6b: {  	_ =	shalt  }
0x6c: {  	_ =	shalt  }
0x6d: {  	_ =	shalt  }
0x6e: {  	_ =	shalt  }
0x6f: {  	_ =	shalt  }
0x70: {  	_ =	shalt  }
0x71: {  	_ =	shalt  }
0x72: {  	_ =	shalt  }
0x73: {  	_ =	shalt  }
0x74: {  	_ =	shalt  }
0x75: {  	_ =	shalt  }
0x76: {  	_ =	shalt  }
0x77: {  	_ =	shalt  }
0x78: {  	_ =	shalt  }
0x79: {  	_ =	shalt  }
0x7a: {  	_ =	shalt  }
0x7b: {  	_ =	shalt  }
0x7c: {  	_ =	shalt  }
0x7d: {  	_ =	shalt  }
0x7e: {  	_ =	shalt  }
0x7f: {  	_ =	shalt  }
0x80: {  	_ =	shalt  }
0x81: {  	_ =	shalt  }
0x82: {  	_ =	shalt  }
0x83: {  	_ =	shalt  }
0x84: {  	_ =	shalt  }
0x85: {  	_ =	shalt  }
0x86: {  	_ =	shalt  }
0x87: {  	_ =	shalt  }
.Lfunc_end0:
.L_simem_size_0:
called_computation_lowered:
.L_overlay_start_0:
0x88: {  	s2 =	sld [smem:$0x3FD9]  }
0x89: {  	s3 =	sld [smem:$0x3FFE];
	_ =	sdelay $0x1  }
0x8a: {  	s1 =	srdreg.scid  }
0x8b: {  	s0 =	sand.u32 $0x1, s1  }
0x8c: {  	s17 =	sshll.u32 s0, $0xA;
	s2 =	sadd.s32 s3, s2  }
0x8d: {  	s2 =	sadd.s32 s2, s17  }
0x8e: {  	[smem:$0x3FB6] =	sst s2  }
0x8f: {  	_ = 	snop  }
0x90: {  	s2 =	sld [smem:$0x3FB8]  }
0x91: {  	s18 =	sld [smem:$0x3FD0];
	(tm) =	ssettm $0x1  }
0x92: {  	s4 =	sld [smem:$0x3FFB];
	_ =	sdelay $0x3  }
0x93: {  	_ =	strace s4  }
0x94: {  	s4 =	sld [smem:$0x3FFC];
	_ =	sdelay $0x3  }
0x95: {  	_ =	strace s4  }
0x96: {  	s4 =	sld [smem:$0x3FFD];
	_ =	sdelay $0x3  }
0x97: {  	_ =	strace s4  }
0x98: {  	_ =	strace $0x8FFFFFFF  }
0x99: {  	s19 =	sld [smem:$0x3FDB];
	_ =	sdelay $0x1  }
0x9a: {  	s5 =	simm.s32 $_scs_section_size  }
0x9b: {  	s6 =	simm.s32 $_size__tile_overlayer_lowered;
	s7 =	simm.s32 $_tile_overlayer_lowered  }
0x9c: {  	s22 =	simm.s32 $0x1BFF;
	s21 =	sshll.u32 s7, $0x1;
	s4 =	sadd.s32 s5, s19  }
0x9d: {  	s8 =	simm.s32 $0x0;
	s20 =	sshll.u32 s6, $0x1;
	s6 =	sadd.s32 s21, s4  }
0x9e: {  	[timem:s8], [sflag:s22] =	dma.local [hbm:s6], s20  }
0x9f: {  	_ =	swait.ge [sflag:s22], s20  }
0xa0: {  	s5 =	ssub.s32 $0x0, s20;
	[sflag:s22] =	ssyncset.done $0x0  }
0xa1: {  	[sflag:s22] =	ssyncadd.s32 s5;
	_ =	sdelay $0x1  }
0xa2: {  	s23 =	simm.s32 $0x1B8B  }
0xa3: {  	_ =	swait.ge [sflag:s23], $0x1  }
0xa4: {  	[sflag:s23] =	ssyncset.done $0x0  }
0xa5: {  	s25 =	simm.s32 $0x1B8E;
	s24 =	sld [smem:$0x3FFE];
	[sflag:s23] =	ssyncadd.s32 $0xFFFFFFFF  }
0xa6: {  	s26 =	simm.s32 $execute0_lowered;
	[smem:$0x3FD2] =	sst s25  }
0xa7: {  	s6 =	sshll.u32 s26, $0x1;
	_ =	strace $0x80000046;
	[dreg:$0x1] =	wrdreg $0xFFFFFFFF  }
0xa8: {  	s28 =	simm.s32 $_size_execute0_lowered;
	s4 =	sadd.s32 s4, s6;
	[dreg:$0x0] =	wrdreg $0x0  }
0xa9: {  	s6 =	sshll.u32 s28, $0x1;
	[dreg:$0x2] =	wrdreg s4  }
0xaa: {  	[dreg:$0x3] =	wrdreg s6  }
0xab: {  	[dreg:$0x4] =	wrdreg $0xC0  }
0xac: {  	_ =	task [dreg:s8], $0x5FFFF  }
0xad: {  	[dreg:$0x1] =	wrdreg $0xFFFFFFFF  }
0xae: {  	[dreg:$0x0] =	wrdreg $0x60  }
0xaf: {  	[dreg:$0x2] =	wrdreg s24  }
0xb0: {  	[dreg:$0x3] =	wrdreg s2  }
0xb1: {  	[dreg:$0x4] =	wrdreg s18  }
0xb2: {  	[dreg:$0x5] =	wrdreg $0x9  }
0xb3: {  	_ =	task.clear_ibuf [dreg:s8], $0x6FFFF;
	_ =	strace $0x90000046  }
0xb4: {  	s29 =	simm.s32 $0x9;
	_ =	strace $0x80000048  }
0xb5: {  	_ =	swait.ge [sflag:s29], $0x1  }
0xb6: {  	[sflag:s29] =	ssyncadd.s32 $0xFFFFFFFF  }
0xb7: {  	_ =	strace $0x90000048  }
0xb8: {  	_ =	sfence  }
0xb9: {  	s30 =	sld [smem:$0x0];
	_ =	sdelay $0x2  }
0xba: {  	s31 =	sshll.u32 s1, $0xD;
	s1 =	sshrl.u32 s1, $0x2  }
0xbb: {  	s3 =	sand.u32 $0x4000, s31;
	s1 =	sadd.s32 s1, s30  }
0xbc: {  	s0 =	sor.u32 s3, s0;
	s1 =	sshll.u32 s1, $0x11  }
0xbd: {  	s0 =	sor.u32 s1, s0  }
0xbe: {  	s0 =	sadd.s32 $0x8F2B, s0  }
0xbf: {  	[sflag:s0] =	ssyncadd.remote.s32 $0x1  }
0xc0: {  	_ =	sfence.sel $0xFFFF  }
0xc1: {  	[dreg:$0x0] =	wrdreg $0xFFFFFFFF;
	(pc) =	sbr.abs _section_cstart, $3  }
0xc2: {  	[dreg:$0x1] =	wrdreg $0xFFFFFFFF  }
0xc3: {  	_ =	task.clear_ibuf [dreg:s8], $0x2FFFF;
	_ =	strace $0x9FFFFFFF  }
0xc4: {  	(tm) =	ssettm $0x7FFFFFFF  }
0xc5: {  	_ =	shalt  }
tec
execute0_lowered:
.L_overlay_start_1:
0x0: {  	(tag) =	ssettag $0x1  }
0x1: {  	s5 =	rddreg [dreg:$0x0]  }
0x2: {  	s1 =	rddreg [dreg:$0x1]  }
0x3: {  	s2 =	rddreg [dreg:$0x2];
	s3 =	srdreg.scid  }
0x4: {  	s0 =	stileid.u32;
	s11 =	simm.s32 $0x400;
	s12 =	simm.s32 $0x5  }
0x5: {  	s13 =	simm.s32 $0x1E180;
	s14 =	simm.s32 $0x1EB80;
	s15 =	simm.s32 $0x1F580  }
0x6: {  	s16 =	simm.s32 $0x1F600;
	s17 =	simm.s32 $0xA080;
	s18 =	simm.s32 $0x14100  }
0x7: {  	s6 =	sand.u32 $0x1, s3;
	s30 =	sshrl.u32 s0, $0x2;
	s4 =	sshll.u32 s0, $0x8  }
0x8: {  	s7 =	smul.u32 $0x50400, s30;
	s8 =	sshll.u32 s6, $0x7;
	s4 =	sand.u32 $0x300, s4  }
0x9: {  	s19 =	simm.s32 $0x0;
	s3 =	rddreg [dreg:$0x3];
	s8 =	sor.u32 s8, s4  }
0xa: {  	s6 =	ssub.s32 $0x2, s6;
	s4 =	simm.s32 $0x0;
	s7 =	sor.u32 s7, s8  }
0xb: {  	s31 =	sshrl.u32 s6, $0x1;
	[smem:$0x7FF] =	sst s4;
	s7 =	sshrl.u32 s7, $0x3  }
0xc: {  	s10 =	ssub.s32 s6, s31;
	s6 =	sadd.s32 $0x140, s1;
	s9 =	sadd.s32 s7, s5  }
0xd: {  	_ =	strace $0x80000047;
	s7 =	sadd.s32 $0x2, s2;
	s5 =	sadd.s32 $0x2D200, s9  }
0xe: {  	v0 =	vimm.f32 $-Inf;
	s8 =	sadd.s32 $0x55400, s9;
	s9 =	smax.u32 s10, $0x1;
	s10 =	simm.s32 $0x80  }
.LBB2_1:
0xf: {  	[tilespmem:s4], [sflag:$0x5] =	stream.strided.gather [hbm4b:s5+s10], $0xA080, s11, s10, $0x38;
	[tilespmem:$0x1F680] =	vst v63  }
0x10: {  	_ =	swait.ge [sflag:s12], $0xA080  }
0x11: {  	[sflag:s12] =	ssyncset.done $0x0  }
0x12: {  	s20 =	simm.s32 $0x40;
	s21 =	simm.s32 $0x0;
	[sflag:s12] =	ssyncadd.s32 $0xFFFF5F80  }
.LBB2_2:
0x13: {  	p0 =	sne.s32 s20, $0x28000;
	[tilespmem:s21+$0xA080] =	vst v0;
	s22 =	smov.u32 s20;
	s20 =	sadd.s32 $0x40, s20  }
.Ltmp0:
0x14: {  	[tilespmem:s21+$0x14100] =	vst v0;
	(pc) =	sbr.rel @p0 .LBB2_2-.Ltmp0, $2  }
0x15: {  	_ =	sdelay $0x2  }
0x16: {  	s21 =	sshra.s32 s22, $0x2  }
0x17: {  	[tilespmem:s21+$0xA080] =	vst v0  }
0x18: {  	[tilespmem:s21+$0x14100] =	vst v0;
	v63 =	vimm.s32 $0x0  }
0x19: {  	[tilespmem:$0x1F589] =	vst v63  }
0x1a: {  	s20 =	simm.s32 $0x0;
	[tilespmem:$0x1F609] =	vst v63  }
0x1b: {  	[tilespmem:s13], [sflag:$0x1] =	stream.linear.gather [hbm4b:s1+s20], $0xA00, $0x38;
	[tilespmem:$0x1F680] =	vst v63  }
0x1c: {  	_ = 	snop  }
0x1d: {  	[tilespmem:s14], [sflag:$0x2] =	stream.linear.gather [hbm4b:s6+s20], $0xA00, $0x38;
	[tilespmem:$0x1F680] =	vst v63  }
.Ltmp1:
0x1e: {  	_ = 	snop;
	(pc) =	sbr.rel .LBB2_4-.Ltmp1, $4  }
0x1f: {  	_ = 	snop  }
0x20: {  	[tilespmem:s15], [sflag:$0x3] =	stream.linear.gather [hbm4b:s2+s20], $0x10, $0x38;
	[tilespmem:$0x1F680] =	vst v63  }
0x21: {  	_ = 	snop  }
0x22: {  	[tilespmem:s16], [sflag:$0x4] =	stream.linear.gather [hbm4b:s7+s20], $0x10, $0x38;
	[tilespmem:$0x1F680] =	vst v63  }
.LBB2_8:
0x23: {  	p0 =	sgt.u32 s20, $0xF7  }
0x24: {  	s25 =	sadd.s32 @!p0 $0x2, s20  }
0x25: {  	s26 =	smul.u32 @!p0 $0x140, s25;
	_ =	sdelay $0x1  }
0x26: {  	s28 =	simm.s32 @!p0 $0x0;
	s26 =	sadd.s32 @!p0 s1, s26  }
0x27: {  	[tilespmem:s24], [sflag:s21] =	stream.linear.gather @!p0 [hbm4b:s26+s28], $0xA00, $0x38;
	[tilespmem:$0x1F680] =	vst v63  }
0x28: {  	s21 =	sshll.u32 @!p0 s25, $0x1  }
0x29: {  	s20 =	sadd.s32 $0x1, s20;
	s21 =	sadd.s32 @!p0 s2, s21  }
0x2a: {  	[tilespmem:s23], [sflag:s22] =	stream.linear.gather @!p0 [hbm4b:s21+s28], $0x10, $0x38;
	[tilespmem:$0x1F680] =	vst v63  }
0x2b: {  	p0 =	sne.s32 s20, $0xFA  }
.Ltmp2:
0x2c: {  	_ = 	snop;
	(pc) =	sbr.rel @!p0 .LBB2_9-.Ltmp2, $1  }
0x2d: {  	_ =	sdelay $0x3  }
.LBB2_4:
0x2e: {  	s23 =	sand.u32 $0x1, s20  }
0x2f: {  	s21 =	sadd.s32 $0x1, s23;
	s24 =	smul.u32 $0x2800, s23  }
0x30: {  	s22 =	sadd.s32 $0x3, s23;
	_ =	swait.ge [sflag:s21], $0xA00  }
.Ltmp3:
0x31: {  	[sflag:s21] =	ssyncset.done $0x0;
	s24 =	sshrl.u32 s24, $0x2;
	(pc) =	sbr.rel .LBB2_5-.Ltmp3, $4  }
0x32: {  	s23 =	sshll.u32 s23, $0x7;
	[sflag:s21] =	ssyncadd.s32 $0xFFFFF600;
	s24 =	sor.u32 $0x1E180, s24  }
0x33: {  	s23 =	sadd.s32 $0x1F580, s23;
	_ =	swait.ge [sflag:s22], $0x10;
	v0 =	vmov s24  }
0x34: {  	v63 =	vmov s23;
	[sflag:s22] =	ssyncset.done $0x0;
	[tilespmem:$0x1FFE0] =	vst v0  }
0x35: {  	s25 =	simm.s32 $0x0;
	[tilespmem:$0x1FFF0] =	vst v63;
	[sflag:s22] =	ssyncadd.s32 $0xFFFFFFF0  }
.LBB2_7:
0x36: {  	s25 =	sadd.s32 $0x1, s25  }
0x37: {  	p0 =	sne.s32 s25, $0xA  }
.Ltmp4:
0x38: {  	_ = 	snop;
	(pc) =	sbr.rel @!p0 .LBB2_8-.Ltmp4, $1  }
0x39: {  	_ =	sdelay $0x3  }
.LBB2_5:
0x3a: {  	v4 =	vld [tilespmem:$0x1FFE0];
	_ =	sdelay $0x5  }
0x3b: {  	s26 =	sshll.u32 s25, $0x8  }
0x3c: {  	s26 =	sand.u32 $0x3FFFFF00, s26  }
0x3d: {  	v0 =	vld.idx.msk [tilespmem:v4+s26+$0x0 ss:$0x1], $0xffff  }
0x3e: {  	v1 =	vld.idx.msk [tilespmem:v4+s26+$0x80 ss:$0x1], $0xffff;
	_ =	sdelay $0x3  }
0x3f: {  	v0 =	vshll.u32 v0, $0x2  }
0x40: {  	v8 =	vshll.u32 v1, $0x2;
	_ =	sdelay $0x3  }
0x41: {  	v5 =	vld.idx.msk [tilespmem:v0+s4+$0x0], $0xffff  }
0x42: {  	v1 =	vld.idx.msk [tilespmem:v8+s17+$0x0], $0xffff;
	_ =	sdelay $0x3  }
0x43: {  	v2 =	vor.u32 $0x1, v0  }
0x44: {  	v3 =	vor.u32 $0x2, v0;
	vm0 =	vgt.f32 v5, v1  }
0x45: {  	v0 =	vor.u32 $0x3, v0  }
0x46: {  	v9 =	vor.u32 $0x1, v8;
	_ =	sdelay $0x1  }
0x47: {  	v11 =	vld.idx.msk [tilespmem:v2+s4+$0x0], $0xffff  }
0x48: {  	v10 =	vld.idx.msk [tilespmem:v3+s4+$0x0], $0xffff  }
0x49: {  	v1 =	vld.idx.msk [tilespmem:v0+s4+$0x0], $0xffff;
	[tilespmem:v8+s17+$0x0] =	vst.idx.msk vm0, v5  }
0x4a: {  	v0 =	vld.idx.msk [tilespmem:v9+s17+$0x0], $0xffff;
	_ =	sdelay $0x4  }
0x4b: {  	vm9 =	vgt.f32 v11, v0;
	_ =	sdelay $0x1  }
0x4c: {  	v12 =	vor.u32 $0x2, v8;
	_ =	sdelay $0x3  }
0x4d: {  	[tilespmem:v9+s17+$0x0] =	vst.idx.msk vm9, v11  }
0x4e: {  	v0 =	vld.idx.msk [tilespmem:v12+s17+$0x0], $0xffff;
	_ =	sdelay $0x4  }
0x4f: {  	vm10 =	vgt.f32 v10, v0;
	_ =	sdelay $0x1  }
0x50: {  	v13 =	vor.u32 $0x3, v8;
	_ =	sdelay $0x3  }
0x51: {  	[tilespmem:v12+s17+$0x0] =	vst.idx.msk vm10, v10  }
0x52: {  	v0 =	vld.idx.msk [tilespmem:v13+s17+$0x0], $0xffff;
	_ =	sdelay $0x4  }
0x53: {  	vm11 =	vgt.f32 v1, v0;
	_ =	sdelay $0x5  }
0x54: {  	[tilespmem:v13+s17+$0x0] =	vst.idx.msk vm11, v1  }
0x55: {  	v0 =	vld.idx.msk [tilespmem:v4+s26+$0x10 ss:$0x1], $0xffff  }
0x56: {  	[tilespmem:$0x1FCF0] =	vst v1;
	v1 =	vld.idx.msk [tilespmem:v4+s26+$0x90 ss:$0x1], $0xffff;
	_ =	sdelay $0x3  }
0x57: {  	v0 =	vshll.u32 v0, $0x2  }
0x58: {  	v14 =	vshll.u32 v1, $0x2;
	_ =	sdelay $0x3  }
0x59: {  	v15 =	vld.idx.msk [tilespmem:v0+s4+$0x0], $0xffff  }
0x5a: {  	v1 =	vld.idx.msk [tilespmem:v14+s18+$0x0], $0xffff;
	_ =	sdelay $0x3  }
0x5b: {  	v2 =	vor.u32 $0x1, v0  }
0x5c: {  	v3 =	vor.u32 $0x2, v0;
	vm12 =	vgt.f32 v15, v1  }
0x5d: {  	v0 =	vor.u32 $0x3, v0  }
0x5e: {  	v16 =	vor.u32 $0x1, v14;
	_ =	sdelay $0x1  }
0x5f: {  	v17 =	vld.idx.msk [tilespmem:v2+s4+$0x0], $0xffff  }
0x60: {  	v18 =	vld.idx.msk [tilespmem:v3+s4+$0x0], $0xffff  }
0x61: {  	v19 =	vld.idx.msk [tilespmem:v0+s4+$0x0], $0xffff;
	[tilespmem:v14+s18+$0x0] =	vst.idx.msk vm12, v15  }
0x62: {  	v0 =	vld.idx.msk [tilespmem:v16+s18+$0x0], $0xffff;
	_ =	sdelay $0x4  }
0x63: {  	vm13 =	vgt.f32 v17, v0;
	_ =	sdelay $0x1  }
0x64: {  	v20 =	vor.u32 $0x2, v14;
	_ =	sdelay $0x3  }
0x65: {  	[tilespmem:v16+s18+$0x0] =	vst.idx.msk vm13, v17  }
0x66: {  	v0 =	vld.idx.msk [tilespmem:v20+s18+$0x0], $0xffff;
	_ =	sdelay $0x4  }
0x67: {  	vm14 =	vgt.f32 v18, v0;
	_ =	sdelay $0x1  }
0x68: {  	v21 =	vor.u32 $0x3, v14;
	_ =	sdelay $0x3  }
0x69: {  	[tilespmem:v20+s18+$0x0] =	vst.idx.msk vm14, v18  }
0x6a: {  	v0 =	vld.idx.msk [tilespmem:v21+s18+$0x0], $0xffff;
	_ =	sdelay $0x4  }
0x6b: {  	vm15 =	vgt.f32 v19, v0;
	_ =	sdelay $0x5  }
0x6c: {  	[tilespmem:v21+s18+$0x0] =	vst.idx.msk vm15, v19  }
0x6d: {  	v0 =	vld.idx.msk [tilespmem:v4+s26+$0x20 ss:$0x1], $0xffff  }
0x6e: {  	v1 =	vld.idx.msk [tilespmem:v4+s26+$0xA0 ss:$0x1], $0xffff;
	_ =	sdelay $0x3  }
0x6f: {  	v0 =	vshll.u32 v0, $0x2  }
0x70: {  	v22 =	vshll.u32 v1, $0x2;
	_ =	sdelay $0x3  }
0x71: {  	v23 =	vld.idx.msk [tilespmem:v0+s4+$0x0], $0xffff  }
0x72: {  	v1 =	vld.idx.msk [tilespmem:v22+s17+$0x0], $0xffff;
	_ =	sdelay $0x3  }
0x73: {  	v2 =	vor.u32 $0x1, v0  }
0x74: {  	v3 =	vor.u32 $0x2, v0;
	vm4 =	vgt.f32 v23, v1  }
0x75: {  	v0 =	vor.u32 $0x3, v0  }
0x76: {  	v24 =	vor.u32 $0x1, v22;
	_ =	sdelay $0x1  }
0x77: {  	v25 =	vld.idx.msk [tilespmem:v2+s4+$0x0], $0xffff  }
0x78: {  	v26 =	vld.idx.msk [tilespmem:v3+s4+$0x0], $0xffff  }
0x79: {  	v27 =	vld.idx.msk [tilespmem:v0+s4+$0x0], $0xffff;
	[tilespmem:v22+s17+$0x0] =	vst.idx.msk vm4, v23  }
0x7a: {  	v0 =	vld.idx.msk [tilespmem:v24+s17+$0x0], $0xffff;
	_ =	sdelay $0x4  }
0x7b: {  	vm5 =	vgt.f32 v25, v0;
	_ =	sdelay $0x1  }
0x7c: {  	v28 =	vor.u32 $0x2, v22;
	_ =	sdelay $0x3  }
0x7d: {  	[tilespmem:v24+s17+$0x0] =	vst.idx.msk vm5, v25  }
0x7e: {  	v0 =	vld.idx.msk [tilespmem:v28+s17+$0x0], $0xffff;
	_ =	sdelay $0x4  }
0x7f: {  	vm6 =	vgt.f32 v26, v0;
	_ =	sdelay $0x1  }
0x80: {  	v29 =	vor.u32 $0x3, v22;
	_ =	sdelay $0x3  }
0x81: {  	[tilespmem:v28+s17+$0x0] =	vst.idx.msk vm6, v26  }
0x82: {  	v0 =	vld.idx.msk [tilespmem:v29+s17+$0x0], $0xffff;
	_ =	sdelay $0x4  }
0x83: {  	vm7 =	vgt.f32 v27, v0;
	_ =	sdelay $0x5  }
0x84: {  	[tilespmem:v29+s17+$0x0] =	vst.idx.msk vm7, v27  }
0x85: {  	v0 =	vld.idx.msk [tilespmem:v4+s26+$0x30 ss:$0x1], $0xffff  }
0x86: {  	v1 =	vld.idx.msk [tilespmem:v4+s26+$0xB0 ss:$0x1], $0xffff;
	_ =	sdelay $0x3  }
0x87: {  	v0 =	vshll.u32 v0, $0x2  }
0x88: {  	v30 =	vshll.u32 v1, $0x2;
	_ =	sdelay $0x3  }
0x89: {  	v31 =	vld.idx.msk [tilespmem:v0+s4+$0x0], $0xffff  }
0x8a: {  	v1 =	vld.idx.msk [tilespmem:v30+s18+$0x0], $0xffff;
	_ =	sdelay $0x3  }
0x8b: {  	v2 =	vor.u32 $0x1, v0  }
0x8c: {  	v3 =	vor.u32 $0x2, v0;
	vm8 =	vgt.f32 v31, v1  }
0x8d: {  	v0 =	vor.u32 $0x3, v0  }
0x8e: {  	v32 =	vor.u32 $0x1, v30;
	_ =	sdelay $0x1  }
0x8f: {  	v33 =	vld.idx.msk [tilespmem:v2+s4+$0x0], $0xffff  }
0x90: {  	v34 =	vld.idx.msk [tilespmem:v3+s4+$0x0], $0xffff  }
0x91: {  	v35 =	vld.idx.msk [tilespmem:v0+s4+$0x0], $0xffff;
	[tilespmem:v30+s18+$0x0] =	vst.idx.msk vm8, v31  }
0x92: {  	v0 =	vld.idx.msk [tilespmem:v32+s18+$0x0], $0xffff;
	_ =	sdelay $0x4  }
0x93: {  	vm9 =	vgt.f32 v33, v0;
	_ =	sdelay $0x1  }
0x94: {  	v36 =	vor.u32 $0x2, v30;
	_ =	sdelay $0x3  }
0x95: {  	[tilespmem:v32+s18+$0x0] =	vst.idx.msk vm9, v33  }
0x96: {  	v0 =	vld.idx.msk [tilespmem:v36+s18+$0x0], $0xffff;
	_ =	sdelay $0x4  }
0x97: {  	vm10 =	vgt.f32 v34, v0;
	_ =	sdelay $0x1  }
0x98: {  	v37 =	vor.u32 $0x3, v30;
	_ =	sdelay $0x3  }
0x99: {  	[tilespmem:v36+s18+$0x0] =	vst.idx.msk vm10, v34  }
0x9a: {  	v0 =	vld.idx.msk [tilespmem:v37+s18+$0x0], $0xffff;
	_ =	sdelay $0x4  }
0x9b: {  	vm11 =	vgt.f32 v35, v0;
	_ =	sdelay $0x5  }
0x9c: {  	[tilespmem:v37+s18+$0x0] =	vst.idx.msk vm11, v35  }
0x9d: {  	v0 =	vld.idx.msk [tilespmem:v4+s26+$0x40 ss:$0x1], $0xffff  }
0x9e: {  	v1 =	vld.idx.msk [tilespmem:v4+s26+$0xC0 ss:$0x1], $0xffff;
	_ =	sdelay $0x3  }
0x9f: {  	v0 =	vshll.u32 v0, $0x2  }
0xa0: {  	v38 =	vshll.u32 v1, $0x2;
	_ =	sdelay $0x3  }
0xa1: {  	v39 =	vld.idx.msk [tilespmem:v0+s4+$0x0], $0xffff  }
0xa2: {  	v1 =	vld.idx.msk [tilespmem:v38+s17+$0x0], $0xffff;
	_ =	sdelay $0x3  }
0xa3: {  	v2 =	vor.u32 $0x1, v0  }
0xa4: {  	v3 =	vor.u32 $0x2, v0;
	vm12 =	vgt.f32 v39, v1  }
0xa5: {  	v0 =	vor.u32 $0x3, v0  }
0xa6: {  	v40 =	vor.u32 $0x1, v38;
	_ =	sdelay $0x1  }
0xa7: {  	v41 =	vld.idx.msk [tilespmem:v2+s4+$0x0], $0xffff  }
0xa8: {  	v42 =	vld.idx.msk [tilespmem:v3+s4+$0x0], $0xffff  }
0xa9: {  	v43 =	vld.idx.msk [tilespmem:v0+s4+$0x0], $0xffff;
	[tilespmem:v38+s17+$0x0] =	vst.idx.msk vm12, v39  }
0xaa: {  	v0 =	vld.idx.msk [tilespmem:v40+s17+$0x0], $0xffff;
	_ =	sdelay $0x4  }
0xab: {  	vm13 =	vgt.f32 v41, v0;
	_ =	sdelay $0x1  }
0xac: {  	v44 =	vor.u32 $0x2, v38;
	_ =	sdelay $0x3  }
0xad: {  	[tilespmem:v40+s17+$0x0] =	vst.idx.msk vm13, v41  }
0xae: {  	v0 =	vld.idx.msk [tilespmem:v44+s17+$0x0], $0xffff;
	_ =	sdelay $0x4  }
0xaf: {  	vm14 =	vgt.f32 v42, v0;
	_ =	sdelay $0x1  }
0xb0: {  	v45 =	vor.u32 $0x3, v38;
	_ =	sdelay $0x3  }
0xb1: {  	[tilespmem:v44+s17+$0x0] =	vst.idx.msk vm14, v42  }
0xb2: {  	v0 =	vld.idx.msk [tilespmem:v45+s17+$0x0], $0xffff;
	_ =	sdelay $0x4  }
0xb3: {  	vm15 =	vgt.f32 v43, v0;
	_ =	sdelay $0x5  }
0xb4: {  	[tilespmem:v45+s17+$0x0] =	vst.idx.msk vm15, v43  }
0xb5: {  	v0 =	vld.idx.msk [tilespmem:v4+s26+$0x50 ss:$0x1], $0xffff  }
0xb6: {  	v1 =	vld.idx.msk [tilespmem:v4+s26+$0xD0 ss:$0x1], $0xffff;
	_ =	sdelay $0x3  }
0xb7: {  	v0 =	vshll.u32 v0, $0x2  }
0xb8: {  	v46 =	vshll.u32 v1, $0x2;
	_ =	sdelay $0x3  }
0xb9: {  	v47 =	vld.idx.msk [tilespmem:v0+s4+$0x0], $0xffff  }
0xba: {  	v1 =	vld.idx.msk [tilespmem:v46+s18+$0x0], $0xffff;
	_ =	sdelay $0x3  }
0xbb: {  	v2 =	vor.u32 $0x1, v0  }
0xbc: {  	v3 =	vor.u32 $0x2, v0;
	vm4 =	vgt.f32 v47, v1  }
0xbd: {  	v0 =	vor.u32 $0x3, v0  }
0xbe: {  	v48 =	vor.u32 $0x1, v46;
	_ =	sdelay $0x1  }
0xbf: {  	v49 =	vld.idx.msk [tilespmem:v2+s4+$0x0], $0xffff  }
0xc0: {  	v50 =	vld.idx.msk [tilespmem:v3+s4+$0x0], $0xffff  }
0xc1: {  	v51 =	vld.idx.msk [tilespmem:v0+s4+$0x0], $0xffff;
	[tilespmem:v46+s18+$0x0] =	vst.idx.msk vm4, v47  }
0xc2: {  	v0 =	vld.idx.msk [tilespmem:v48+s18+$0x0], $0xffff;
	_ =	sdelay $0x4  }
0xc3: {  	vm5 =	vgt.f32 v49, v0;
	_ =	sdelay $0x1  }
0xc4: {  	v52 =	vor.u32 $0x2, v46;
	_ =	sdelay $0x3  }
0xc5: {  	[tilespmem:v48+s18+$0x0] =	vst.idx.msk vm5, v49  }
0xc6: {  	v0 =	vld.idx.msk [tilespmem:v52+s18+$0x0], $0xffff;
	_ =	sdelay $0x4  }
0xc7: {  	vm6 =	vgt.f32 v50, v0;
	_ =	sdelay $0x1  }
0xc8: {  	v53 =	vor.u32 $0x3, v46;
	_ =	sdelay $0x3  }
0xc9: {  	[tilespmem:v52+s18+$0x0] =	vst.idx.msk vm6, v50  }
0xca: {  	v0 =	vld.idx.msk [tilespmem:v53+s18+$0x0], $0xffff;
	_ =	sdelay $0x4  }
0xcb: {  	vm7 =	vgt.f32 v51, v0;
	_ =	sdelay $0x5  }
0xcc: {  	[tilespmem:v53+s18+$0x0] =	vst.idx.msk vm7, v51  }
0xcd: {  	v0 =	vld.idx.msk [tilespmem:v4+s26+$0x60 ss:$0x1], $0xffff  }
0xce: {  	v1 =	vld.idx.msk [tilespmem:v4+s26+$0xE0 ss:$0x1], $0xffff;
	_ =	sdelay $0x3  }
0xcf: {  	v0 =	vshll.u32 v0, $0x2  }
0xd0: {  	v54 =	vshll.u32 v1, $0x2;
	_ =	sdelay $0x3  }
0xd1: {  	v55 =	vld.idx.msk [tilespmem:v0+s4+$0x0], $0xffff  }
0xd2: {  	v1 =	vld.idx.msk [tilespmem:v54+s17+$0x0], $0xffff;
	_ =	sdelay $0x3  }
0xd3: {  	v2 =	vor.u32 $0x1, v0  }
0xd4: {  	v3 =	vor.u32 $0x2, v0;
	vm8 =	vgt.f32 v55, v1  }
0xd5: {  	v0 =	vor.u32 $0x3, v0  }
0xd6: {  	v56 =	vor.u32 $0x1, v54;
	_ =	sdelay $0x1  }
0xd7: {  	v57 =	vld.idx.msk [tilespmem:v2+s4+$0x0], $0xffff  }
0xd8: {  	v58 =	vld.idx.msk [tilespmem:v3+s4+$0x0], $0xffff  }
0xd9: {  	v59 =	vld.idx.msk [tilespmem:v0+s4+$0x0], $0xffff;
	[tilespmem:v54+s17+$0x0] =	vst.idx.msk vm8, v55  }
0xda: {  	v0 =	vld.idx.msk [tilespmem:v56+s17+$0x0], $0xffff;
	_ =	sdelay $0x4  }
0xdb: {  	vm9 =	vgt.f32 v57, v0;
	_ =	sdelay $0x1  }
0xdc: {  	v61 =	vor.u32 $0x2, v54;
	_ =	sdelay $0x3  }
0xdd: {  	[tilespmem:v56+s17+$0x0] =	vst.idx.msk vm9, v57  }
0xde: {  	v0 =	vld.idx.msk [tilespmem:v61+s17+$0x0], $0xffff;
	_ =	sdelay $0x4  }
0xdf: {  	vm10 =	vgt.f32 v58, v0;
	_ =	sdelay $0x1  }
0xe0: {  	v62 =	vor.u32 $0x3, v54;
	_ =	sdelay $0x3  }
0xe1: {  	[tilespmem:v61+s17+$0x0] =	vst.idx.msk vm10, v58  }
0xe2: {  	v0 =	vld.idx.msk [tilespmem:v62+s17+$0x0], $0xffff;
	_ =	sdelay $0x4  }
0xe3: {  	vm11 =	vgt.f32 v59, v0;
	_ =	sdelay $0x5  }
0xe4: {  	[tilespmem:v62+s17+$0x0] =	vst.idx.msk vm11, v59  }
0xe5: {  	v0 =	vld.idx.msk [tilespmem:v4+s26+$0x70 ss:$0x1], $0xffff  }
0xe6: {  	v1 =	vld.idx.msk [tilespmem:v4+s26+$0xF0 ss:$0x1], $0xffff;
	_ =	sdelay $0x3  }
0xe7: {  	v0 =	vshll.u32 v0, $0x2  }
0xe8: {  	v60 =	vshll.u32 v1, $0x2;
	_ =	sdelay $0x3  }
0xe9: {  	v63 =	vld.idx.msk [tilespmem:v0+s4+$0x0], $0xffff  }
0xea: {  	v1 =	vld.idx.msk [tilespmem:v60+s18+$0x0], $0xffff;
	_ =	sdelay $0x3  }
0xeb: {  	v2 =	vor.u32 $0x1, v0  }
0xec: {  	v3 =	vor.u32 $0x2, v0;
	vm12 =	vgt.f32 v63, v1  }
0xed: {  	v0 =	vor.u32 $0x3, v0  }
0xee: {  	v1 =	vor.u32 $0x1, v60;
	_ =	sdelay $0x1  }
0xef: {  	v6 =	vld.idx.msk [tilespmem:v2+s4+$0x0], $0xffff  }
0xf0: {  	v7 =	vld.idx.msk [tilespmem:v3+s4+$0x0], $0xffff  }
0xf1: {  	v0 =	vld.idx.msk [tilespmem:v0+s4+$0x0], $0xffff;
	[tilespmem:v60+s18+$0x0] =	vst.idx.msk vm12, v63  }
0xf2: {  	v2 =	vld.idx.msk [tilespmem:v1+s18+$0x0], $0xffff;
	_ =	sdelay $0x4  }
0xf3: {  	vm13 =	vgt.f32 v6, v2;
	_ =	sdelay $0x1  }
0xf4: {  	v3 =	vor.u32 $0x2, v60;
	_ =	sdelay $0x3  }
0xf5: {  	[tilespmem:v1+s18+$0x0] =	vst.idx.msk vm13, v6  }
0xf6: {  	v2 =	vld.idx.msk [tilespmem:v3+s18+$0x0], $0xffff;
	_ =	sdelay $0x4  }
0xf7: {  	vm14 =	vgt.f32 v7, v2;
	_ =	sdelay $0x1  }
0xf8: {  	v2 =	vor.u32 $0x3, v60;
	_ =	sdelay $0x3  }
0xf9: {  	[tilespmem:v3+s18+$0x0] =	vst.idx.msk vm14, v7  }
0xfa: {  	[tilespmem:$0x1FC90] =	vst v5;
	v5 =	vld.idx.msk [tilespmem:v2+s18+$0x0], $0xffff;
	_ =	sdelay $0x3  }
0xfb: {  	v4 =	vld [tilespmem:$0x1FFF0]  }
0xfc: {  	vm15 =	vgt.f32 v0, v5;
	_ =	sdelay $0x5  }
0xfd: {  	[tilespmem:v2+s18+$0x0] =	vst.idx.msk vm15, v0  }
0xfe: {  	v5 =	vld.idx.msk [tilespmem:v4+s25+$0x0 ss:$0x1], $0xffff;
	_ =	sdelay $0x4  }
0xff: {  	(v2sf) =	vpush v5, $0x0;
	_ =	sdelay $0xe  }
0x100: {  	s31 =	spop (v2sf)  }
0x101: {  	p0 =	seq.s32 s31, $0x0  }
0x102: {  	s26 =	simm.s32 @!p0 $0xA080  }
0x103: {  	v4 =	vld.idx.msk @!p0 [tilespmem:v9+s26+$0x0], $0xffff;
	_ =	sdelay $0x4  }
0x104: {  	[tilespmem:$0x1FCB0] =	vst v4;
	v4 =	vld.idx.msk @!p0 [tilespmem:v12+s26+$0x0], $0xffff;
	_ =	sdelay $0x4  }
0x105: {  	[tilespmem:$0x1FCD0] =	vst v4;
	v4 =	vld.idx.msk @!p0 [tilespmem:v13+s26+$0x0], $0xffff;
	_ =	sdelay $0x3  }
0x106: {  	s28 =	simm.s32 @!p0 $0x14100  }
0x107: {  	[tilespmem:$0x1FD00] =	vst v4;
	v4 =	vld.idx.msk @!p0 [tilespmem:v14+s28+$0x0], $0xffff;
	_ =	sdelay $0x4  }
0x108: {  	[tilespmem:$0x1FD20] =	vst v4;
	v4 =	vld.idx.msk @!p0 [tilespmem:v16+s28+$0x0], $0xffff;
	_ =	sdelay $0x4  }
0x109: {  	[tilespmem:$0x1FD40] =	vst v4;
	v4 =	vld.idx.msk @!p0 [tilespmem:v20+s28+$0x0], $0xffff;
	_ =	sdelay $0x4  }
0x10a: {  	[tilespmem:$0x1FD70] =	vst v4;
	v4 =	vld.idx.msk @!p0 [tilespmem:v21+s28+$0x0], $0xffff;
	_ =	sdelay $0x4  }
0x10b: {  	[tilespmem:$0x1FD90] =	vst v4;
	v4 =	vld.idx.msk @!p0 [tilespmem:v22+s26+$0x0], $0xffff;
	_ =	sdelay $0x4  }
0x10c: {  	[tilespmem:$0x1FDB0] =	vst v4;
	v4 =	vld.idx.msk @!p0 [tilespmem:v24+s26+$0x0], $0xffff;
	_ =	sdelay $0x3  }
0x10d: {  	v5 =	vld.idx.msk @!p0 [tilespmem:v8+s26+$0x0], $0xffff  }
0x10e: {  	[tilespmem:$0x1FDE0] =	vst v4;
	v4 =	vld [tilespmem:$0x1FC90];
	_ =	sdelay $0x4  }
0x10f: {  	vm0 =	vgt.f32 @!p0 v4, v5;
	v4 =	vld [tilespmem:$0x1FCB0];
	_ =	sdelay $0x4  }
0x110: {  	vm1 =	vgt.f32 @!p0 v11, v4;
	v4 =	vld [tilespmem:$0x1FCD0];
	_ =	sdelay $0x4  }
0x111: {  	vm2 =	vgt.f32 @!p0 v10, v4;
	v4 =	vld [tilespmem:$0x1FCF0]  }
0x112: {  	[tilespmem:$0x1FCC0] =	vst v10;
	v10 =	vld [tilespmem:$0x1FD00];
	_ =	sdelay $0x4  }
0x113: {  	vm3 =	vgt.f32 @!p0 v4, v10;
	v10 =	vld [tilespmem:$0x1FD70];
	_ =	sdelay $0x1  }
0x114: {  	[tilespmem:$0x1FBD0] =	vst v28;
	v28 =	vld.idx.msk @!p0 [tilespmem:v28+s26+$0x0], $0xffff  }
0x115: {  	[tilespmem:$0x1FBE0] =	vst v29;
	v29 =	vld.idx.msk @!p0 [tilespmem:v29+s26+$0x0], $0xffff  }
0x116: {  	v4 =	vld [tilespmem:$0x1FD20]  }
0x117: {  	[tilespmem:$0x1FB30] =	vst v8;
	vm6 =	vgt.f32 @!p0 v18, v10;
	v10 =	vld [tilespmem:$0x1FD90]  }
0x118: {  	[tilespmem:$0x1FBA0] =	vst v21;
	v21 =	vld.idx.msk @!p0 [tilespmem:v30+s28+$0x0], $0xffff  }
0x119: {  	[tilespmem:$0x1FBB0] =	vst v22;
	v22 =	vld.idx.msk @!p0 [tilespmem:v32+s28+$0x0], $0xffff  }
0x11a: {  	[tilespmem:$0x1FCA0] =	vst v11;
	v11 =	vld [tilespmem:$0x1FDE0]  }
0x11b: {  	[tilespmem:$0x1FB40] =	vst v9;
	vm4 =	vgt.f32 @!p0 v15, v4;
	v4 =	vld [tilespmem:$0x1FD40]  }
0x11c: {  	[tilespmem:$0x1FB70] =	vst v14;
	vm7 =	vgt.f32 @!p0 v19, v10;
	v10 =	vld [tilespmem:$0x1FDB0]  }
0x11d: {  	[tilespmem:$0x1FD10] =	vst v15;
	v9 =	vld.idx.msk @!p0 [tilespmem:v46+s28+$0x0], $0xffff;
	vm10 =	vgt.f32 @!p0 v26, v28  }
0x11e: {  	[tilespmem:$0x1FD30] =	vst v17;
	vm11 =	vgt.f32 @!p0 v27, v29;
	vm12 =	vgt.f32 @!p0 v31, v21;
	v5 =	vld.idx.msk @!p0 [tilespmem:v52+s28+$0x0], $0xffff;
	vm0 =	vmor @!p0 vm0, vm1  }
0x11f: {  	[tilespmem:$0x1FE10] =	vst v56;
	vm9 =	vgt.f32 @!p0 v25, v11;
	v11 =	vld.idx.msk @!p0 [tilespmem:v56+s26+$0x0], $0xffff;
	v56 =	vimm.s32 $0x0;
	vm1 =	vmor @!p0 vm2, vm3  }
0x120: {  	[tilespmem:$0x1FE50] =	vst v61;
	v15 =	vld.idx.msk @!p0 [tilespmem:v61+s26+$0x0], $0xffff;
	v61 =	vimm.s32 $0x0;
	vm5 =	vgt.f32 @!p0 v17, v4;
	v17 =	vsel vm0, $0xFFFFFFFF, v56  }
0x121: {  	v14 =	vld.idx.msk @!p0 [tilespmem:v40+s26+$0x0], $0xffff;
	vm13 =	vgt.f32 @!p0 v33, v22;
	[tilespmem:$0x1FFB0] =	vst v17;
	v17 =	vsel vm1, $0xFFFFFFFF, v61;
	vm8 =	vgt.f32 @!p0 v23, v10  }
0x122: {  	[tilespmem:$0x1FB80] =	vst v16;
	v16 =	vld.idx.msk @!p0 [tilespmem:v38+s26+$0x0], $0xffff;
	vm1 =	vmor @!p0 vm4, vm5;
	vm5 =	vmor @!p0 vm6, vm7;
	vm7 =	vmor @!p0 vm8, vm9  }
0x123: {  	[tilespmem:$0x1FB50] =	vst v12;
	vm9 =	vmor @!p0 vm10, vm11;
	vm11 =	vmor @!p0 vm12, vm13;
	vm12 =	vgt.f32 @!p0 v50, v5;
	v5 =	vld.idx.msk @!p0 [tilespmem:v2+s28+$0x0], $0xffff  }
0x124: {  	[tilespmem:$0x1FB60] =	vst v13;
	v8 =	vld.idx.msk @!p0 [tilespmem:v48+s28+$0x0], $0xffff  }
0x125: {  	[tilespmem:$0x1FEF0] =	vst v3;
	v3 =	vld.idx.msk @!p0 [tilespmem:v3+s28+$0x0], $0xffff  }
0x126: {  	[tilespmem:$0x1FB90] =	vst v20;
	v13 =	vld.idx.msk @!p0 [tilespmem:v44+s26+$0x0], $0xffff  }
0x127: {  	[tilespmem:$0x1FD60] =	vst v18;
	v20 =	vld.idx.msk @!p0 [tilespmem:v37+s28+$0x0], $0xffff;
	vm3 =	vgt.f32 @!p0 v41, v14;
	vm0 =	vgt.f32 @!p0 v39, v16  }
0x128: {  	[tilespmem:$0x1FFA0] =	vst v0;
	vm2 =	vmor @!p0 vm0, vm3;
	vm0 =	vgt.f32 @!p0 v0, v5;
	v0 =	vld [tilespmem:$0x1FFB0]  }
0x129: {  	[tilespmem:$0x1FBC0] =	vst v24;
	v24 =	vld.idx.msk @!p0 [tilespmem:v36+s28+$0x0], $0xffff  }
0x12a: {  	[tilespmem:$0x1FD80] =	vst v19;
	v4 =	vld.idx.msk @!p0 [tilespmem:v53+s28+$0x0], $0xffff  }
0x12b: {  	[tilespmem:$0x1FE80] =	vst v62;
	v16 =	vld.idx.msk @!p0 [tilespmem:v62+s26+$0x0], $0xffff;
	v62 =	vimm.s32 $0x0  }
0x12c: {  	v12 =	vld.idx.msk @!p0 [tilespmem:v45+s26+$0x0], $0xffff;
	[tilespmem:$0x1FFC0] =	vst v17;
	v14 =	vsel vm1, $0xFFFFFFFF, v62;
	vm1 =	vgt.f32 @!p0 v7, v3  }
0x12d: {  	[tilespmem:$0x1FDA0] =	vst v23;
	vm0 =	vmor @!p0 vm1, vm0;
	vm1 =	vnez.u8 v0;
	v0 =	vld [tilespmem:$0x1FFC0]  }
0x12e: {  	[tilespmem:$0x1FED0] =	vst v1;
	vm15 =	vgt.f32 @!p0 v35, v20;
	vm14 =	vgt.f32 @!p0 v34, v24  }
0x12f: {  	v1 =	vld.idx.msk @!p0 [tilespmem:v1+s28+$0x0], $0xffff;
	vm4 =	vgt.f32 @!p0 v42, v13;
	vm8 =	vgt.f32 @!p0 v47, v9;
	vm10 =	vgt.f32 @!p0 v49, v8  }
0x130: {  	[tilespmem:$0x1FDD0] =	vst v25;
	v10 =	vld.idx.msk @!p0 [tilespmem:v54+s26+$0x0], $0xffff;
	vm13 =	vmor @!p0 vm14, vm15;
	vm14 =	vgt.f32 @!p0 v51, v4;
	vm8 =	vmor @!p0 vm8, vm10  }
0x131: {  	[tilespmem:$0x1FFD0] =	vst v14;
	v14 =	vld.idx.msk @!p0 [tilespmem:v60+s28+$0x0], $0xffff;
	vm10 =	vgt.f32 @!p0 v58, v15;
	vm12 =	vmor @!p0 vm12, vm14;
	vm14 =	vgt.f32 @!p0 v59, v16  }
0x132: {  	[tilespmem:$0x1FDF0] =	vst v26;
	vm6 =	vgt.f32 @!p0 v43, v12;
	vm10 =	vmor @!p0 vm10, vm14;
	vm14 =	vnez.u8 v0;
	v0 =	vld [tilespmem:$0x1FFD0]  }
0x133: {  	[tilespmem:$0x1FE00] =	vst v27;
	vm4 =	vmor @!p0 vm4, vm6;
	vm6 =	vgt.f32 @!p0 v57, v11  }
0x134: {  	[tilespmem:$0x1FBF0] =	vst v30;
	vm2 =	vmor @!p0 vm2, vm4;
	vm15 =	vgt.f32 @!p0 v6, v1;
	vm7 =	vmor @!p0 vm7, vm9  }
0x135: {  	[tilespmem:$0x1FC00] =	vst v32;
	vm9 =	vmor @!p0 vm11, vm13;
	vm4 =	vmor @!p0 vm8, vm12;
	vm3 =	vgt.f32 @!p0 v55, v10  }
0x136: {  	[tilespmem:$0x1FC10] =	vst v36;
	vm2 =	vmor @!p0 vm2, vm4;
	vm3 =	vmor @!p0 vm3, vm6;
	vm6 =	vgt.f32 @!p0 v63, v14  }
0x137: {  	[tilespmem:$0x1FC20] =	vst v37;
	vm6 =	vmor @!p0 vm6, vm15;
	vm1 =	vmor @!p0 vm1, vm14;
	vm14 =	vnez.u8 v0  }
0x138: {  	[tilespmem:$0x1FE20] =	vst v31;
	vm3 =	vmor @!p0 vm3, vm10;
	vm0 =	vmor @!p0 vm6, vm0;
	vm5 =	vmor @!p0 vm14, vm5  }
0x139: {  	[tilespmem:$0x1FE30] =	vst v33;
	vm0 =	vmor @!p0 vm3, vm0;
	vm1 =	vmor @!p0 vm1, vm5;
	vm5 =	vmor @!p0 vm7, vm9  }
0x13a: {  	[tilespmem:$0x1FE40] =	vst v34;
	vm0 =	vmor @!p0 vm2, vm0;
	vm1 =	vmor @!p0 vm1, vm5  }
0x13b: {  	[tilespmem:$0x1FE60] =	vst v35;
	vm0 =	vmor @!p0 vm1, vm0  }
0x13c: {  	[tilespmem:$0x1FC30] =	vst v38;
	v5 =	vmpcnt.ones.xlane @!p0 vm0  }
0x13d: {  	[tilespmem:$0x1FC40] =	vst v40  }
0x13e: {  	[tilespmem:$0x1FC50] =	vst v44;
	(v2sf) =	vpush @!p0 v5, $0x0  }
0x13f: {  	[tilespmem:$0x1FC60] =	vst v45  }
0x140: {  	[tilespmem:$0x1FE70] =	vst v39  }
0x141: {  	[tilespmem:$0x1FE90] =	vst v41  }
0x142: {  	[tilespmem:$0x1FEB0] =	vst v42  }
0x143: {  	[tilespmem:$0x1FEC0] =	vst v43  }
0x144: {  	[tilespmem:$0x1FC70] =	vst v46  }
0x145: {  	[tilespmem:$0x1FC80] =	vst v48  }
0x146: {  	[tilespmem:$0x1FCE0] =	vst v52  }
0x147: {  	[tilespmem:$0x1FD50] =	vst v53  }
0x148: {  	[tilespmem:$0x1FEE0] =	vst v47  }
0x149: {  	[tilespmem:$0x1FF00] =	vst v49  }
0x14a: {  	[tilespmem:$0x1FF10] =	vst v50  }
0x14b: {  	[tilespmem:$0x1FF20] =	vst v51  }
0x14c: {  	[tilespmem:$0x1FDC0] =	vst v54  }
0x14d: {  	[tilespmem:$0x1FF30] =	vst v55;
	s26 =	spop @!p0 (v2sf)  }
0x14e: {  	[tilespmem:$0x1FF40] =	vst v57;
	p1 =	slt.s32 @!p0 s26, $0x1  }
0x14f: {  	[tilespmem:$0x1FF50] =	vst v58;
	p0 =	por p0, p1  }
.Ltmp5:
0x150: {  	[tilespmem:$0x1FF60] =	vst v59;
	(pc) =	sbr.rel @p0 .LBB2_7-.Ltmp5, $4  }
0x151: {  	[tilespmem:$0x1FEA0] =	vst v60  }
0x152: {  	[tilespmem:$0x1FF70] =	vst v63  }
0x153: {  	[tilespmem:$0x1FF80] =	vst v6  }
0x154: {  	[tilespmem:$0x1FF90] =	vst v7  }
.LBB2_6:
0x155: {  	v4 =	vld [tilespmem:$0x1FB30];
	_ =	sdelay $0x6  }
0x156: {  	v28 =	vld [tilespmem:$0x1FC90]  }
0x157: {  	v5 =	vld.idx.msk [tilespmem:v4+s17+$0x0], $0xffff;
	_ =	sdelay $0x3  }
0x158: {  	v7 =	vld [tilespmem:$0x1FB40]  }
0x159: {  	vm0 =	vgt.f32 v28, v5;
	_ =	sdelay $0x5  }
0x15a: {  	v37 =	vld [tilespmem:$0x1FCA0];
	[tilespmem:v4+s17+$0x0] =	vst.idx.msk vm0, v28  }
0x15b: {  	v42 =	vld.idx.msk [tilespmem:v7+s17+$0x0], $0xffff;
	_ =	sdelay $0x3  }
0x15c: {  	v43 =	vld [tilespmem:$0x1FB50]  }
0x15d: {  	vm11 =	vgt.f32 v37, v42;
	_ =	sdelay $0x4  }
0x15e: {  	v38 =	vld [tilespmem:$0x1FCC0]  }
0x15f: {  	v5 =	vld.idx.msk [tilespmem:v4+s17+$0x0], $0xffff;
	[tilespmem:v7+s17+$0x0] =	vst.idx.msk vm11, v37  }
0x160: {  	v6 =	vld.idx.msk [tilespmem:v43+s17+$0x0], $0xffff;
	_ =	sdelay $0x3  }
0x161: {  	v9 =	vld [tilespmem:$0x1FB60]  }
0x162: {  	vm12 =	vgt.f32 v38, v6;
	_ =	sdelay $0x4  }
0x163: {  	v39 =	vld [tilespmem:$0x1FCF0]  }
0x164: {  	v6 =	vld.idx.msk [tilespmem:v7+s17+$0x0], $0xffff;
	[tilespmem:v43+s17+$0x0] =	vst.idx.msk vm12, v38  }
0x165: {  	v44 =	vld.idx.msk [tilespmem:v9+s17+$0x0], $0xffff;
	_ =	sdelay $0x3  }
0x166: {  	v45 =	vld [tilespmem:$0x1FB70]  }
0x167: {  	vm13 =	vgt.f32 v39, v44;
	_ =	sdelay $0x4  }
0x168: {  	v40 =	vld [tilespmem:$0x1FD10]  }
0x169: {  	v7 =	vld.idx.msk [tilespmem:v43+s17+$0x0], $0xffff;
	[tilespmem:v9+s17+$0x0] =	vst.idx.msk vm13, v39  }
0x16a: {  	v8 =	vld.idx.msk [tilespmem:v45+s18+$0x0], $0xffff;
	_ =	sdelay $0x3  }
0x16b: {  	v11 =	vld [tilespmem:$0x1FB80]  }
0x16c: {  	vm14 =	vgt.f32 v40, v8;
	_ =	sdelay $0x4  }
0x16d: {  	v41 =	vld [tilespmem:$0x1FD30]  }
0x16e: {  	v8 =	vld.idx.msk [tilespmem:v9+s17+$0x0], $0xffff;
	[tilespmem:v45+s18+$0x0] =	vst.idx.msk vm14, v40  }
0x16f: {  	v46 =	vld.idx.msk [tilespmem:v11+s18+$0x0], $0xffff;
	_ =	sdelay $0x3  }
0x170: {  	v47 =	vld [tilespmem:$0x1FB90]  }
0x171: {  	vm15 =	vgt.f32 v41, v46;
	_ =	sdelay $0x4  }
0x172: {  	v42 =	vld [tilespmem:$0x1FD60]  }
0x173: {  	v9 =	vld.idx.msk [tilespmem:v45+s18+$0x0], $0xffff;
	[tilespmem:v11+s18+$0x0] =	vst.idx.msk vm15, v41  }
0x174: {  	v10 =	vld.idx.msk [tilespmem:v47+s18+$0x0], $0xffff;
	_ =	sdelay $0x3  }
0x175: {  	v12 =	vld [tilespmem:$0x1FBA0]  }
0x176: {  	vm4 =	vgt.f32 v42, v10;
	_ =	sdelay $0x4  }
0x177: {  	v43 =	vld [tilespmem:$0x1FD80]  }
0x178: {  	v10 =	vld.idx.msk [tilespmem:v11+s18+$0x0], $0xffff;
	[tilespmem:v47+s18+$0x0] =	vst.idx.msk vm4, v42  }
0x179: {  	v48 =	vld.idx.msk [tilespmem:v12+s18+$0x0], $0xffff;
	_ =	sdelay $0x3  }
0x17a: {  	v14 =	vld [tilespmem:$0x1FBB0]  }
0x17b: {  	vm5 =	vgt.f32 v43, v48;
	_ =	sdelay $0x4  }
0x17c: {  	v36 =	vld [tilespmem:$0x1FDA0]  }
0x17d: {  	v11 =	vld.idx.msk [tilespmem:v47+s18+$0x0], $0xffff;
	[tilespmem:v12+s18+$0x0] =	vst.idx.msk vm5, v43  }
0x17e: {  	v49 =	vld.idx.msk [tilespmem:v14+s17+$0x0], $0xffff;
	_ =	sdelay $0x3  }
0x17f: {  	v50 =	vld [tilespmem:$0x1FBC0]  }
0x180: {  	vm6 =	vgt.f32 v36, v49;
	_ =	sdelay $0x4  }
0x181: {  	v45 =	vld [tilespmem:$0x1FDD0]  }
0x182: {  	v4 =	vld.idx.msk [tilespmem:v12+s18+$0x0], $0xffff;
	[tilespmem:v14+s17+$0x0] =	vst.idx.msk vm6, v36  }
0x183: {  	v13 =	vld.idx.msk [tilespmem:v50+s17+$0x0], $0xffff;
	_ =	sdelay $0x3  }
0x184: {  	v16 =	vld [tilespmem:$0x1FBD0]  }
0x185: {  	vm7 =	vgt.f32 v45, v13;
	_ =	sdelay $0x4  }
0x186: {  	v46 =	vld [tilespmem:$0x1FDF0]  }
0x187: {  	v13 =	vld.idx.msk [tilespmem:v14+s17+$0x0], $0xffff;
	[tilespmem:v50+s17+$0x0] =	vst.idx.msk vm7, v45  }
0x188: {  	v51 =	vld.idx.msk [tilespmem:v16+s17+$0x0], $0xffff;
	_ =	sdelay $0x3  }
0x189: {  	v52 =	vld [tilespmem:$0x1FBE0]  }
0x18a: {  	vm8 =	vgt.f32 v46, v51;
	_ =	sdelay $0x4  }
0x18b: {  	v47 =	vld [tilespmem:$0x1FE00]  }
0x18c: {  	v14 =	vld.idx.msk [tilespmem:v50+s17+$0x0], $0xffff;
	[tilespmem:v16+s17+$0x0] =	vst.idx.msk vm8, v46  }
0x18d: {  	v15 =	vld.idx.msk [tilespmem:v52+s17+$0x0], $0xffff;
	_ =	sdelay $0x3  }
0x18e: {  	v18 =	vld [tilespmem:$0x1FBF0]  }
0x18f: {  	vm9 =	vgt.f32 v47, v15;
	_ =	sdelay $0x4  }
0x190: {  	v48 =	vld [tilespmem:$0x1FE20]  }
0x191: {  	v15 =	vld.idx.msk [tilespmem:v16+s17+$0x0], $0xffff;
	[tilespmem:v52+s17+$0x0] =	vst.idx.msk vm9, v47  }
0x192: {  	v53 =	vld.idx.msk [tilespmem:v18+s18+$0x0], $0xffff;
	_ =	sdelay $0x3  }
0x193: {  	v54 =	vld [tilespmem:$0x1FC00]  }
0x194: {  	vm10 =	vgt.f32 v48, v53;
	_ =	sdelay $0x4  }
0x195: {  	v49 =	vld [tilespmem:$0x1FE30]  }
0x196: {  	v16 =	vld.idx.msk [tilespmem:v52+s17+$0x0], $0xffff;
	[tilespmem:v18+s18+$0x0] =	vst.idx.msk vm10, v48  }
0x197: {  	v17 =	vld.idx.msk [tilespmem:v54+s18+$0x0], $0xffff;
	_ =	sdelay $0x3  }
0x198: {  	v20 =	vld [tilespmem:$0x1FC10]  }
0x199: {  	vm11 =	vgt.f32 v49, v17;
	_ =	sdelay $0x4  }
0x19a: {  	v50 =	vld [tilespmem:$0x1FE40]  }
0x19b: {  	v17 =	vld.idx.msk [tilespmem:v18+s18+$0x0], $0xffff;
	[tilespmem:v54+s18+$0x0] =	vst.idx.msk vm11, v49  }
0x19c: {  	v55 =	vld.idx.msk [tilespmem:v20+s18+$0x0], $0xffff;
	_ =	sdelay $0x3  }
0x19d: {  	v21 =	vld [tilespmem:$0x1FC20]  }
0x19e: {  	vm12 =	vgt.f32 v50, v55;
	_ =	sdelay $0x4  }
0x19f: {  	v51 =	vld [tilespmem:$0x1FE60]  }
0x1a0: {  	v18 =	vld.idx.msk [tilespmem:v54+s18+$0x0], $0xffff;
	[tilespmem:v20+s18+$0x0] =	vst.idx.msk vm12, v50  }
0x1a1: {  	v19 =	vld.idx.msk [tilespmem:v21+s18+$0x0], $0xffff;
	_ =	sdelay $0x3  }
0x1a2: {  	v56 =	vld [tilespmem:$0x1FC30]  }
0x1a3: {  	vm13 =	vgt.f32 v51, v19;
	_ =	sdelay $0x4  }
0x1a4: {  	v44 =	vld [tilespmem:$0x1FE70]  }
0x1a5: {  	v19 =	vld.idx.msk [tilespmem:v20+s18+$0x0], $0xffff;
	[tilespmem:v21+s18+$0x0] =	vst.idx.msk vm13, v51  }
0x1a6: {  	v57 =	vld.idx.msk [tilespmem:v56+s17+$0x0], $0xffff;
	_ =	sdelay $0x3  }
0x1a7: {  	v23 =	vld [tilespmem:$0x1FC40]  }
0x1a8: {  	vm14 =	vgt.f32 v44, v57;
	_ =	sdelay $0x4  }
0x1a9: {  	v53 =	vld [tilespmem:$0x1FE90]  }
0x1aa: {  	v12 =	vld.idx.msk [tilespmem:v21+s18+$0x0], $0xffff;
	[tilespmem:v56+s17+$0x0] =	vst.idx.msk vm14, v44  }
0x1ab: {  	v58 =	vld.idx.msk [tilespmem:v23+s17+$0x0], $0xffff;
	_ =	sdelay $0x3  }
0x1ac: {  	v59 =	vld [tilespmem:$0x1FC50]  }
0x1ad: {  	vm15 =	vgt.f32 v53, v58;
	_ =	sdelay $0x4  }
0x1ae: {  	v54 =	vld [tilespmem:$0x1FEB0]  }
0x1af: {  	v21 =	vld.idx.msk [tilespmem:v56+s17+$0x0], $0xffff;
	[tilespmem:v23+s17+$0x0] =	vst.idx.msk vm15, v53  }
0x1b0: {  	v22 =	vld.idx.msk [tilespmem:v59+s17+$0x0], $0xffff;
	_ =	sdelay $0x3  }
0x1b1: {  	v25 =	vld [tilespmem:$0x1FC60]  }
0x1b2: {  	vm4 =	vgt.f32 v54, v22;
	_ =	sdelay $0x4  }
0x1b3: {  	v55 =	vld [tilespmem:$0x1FEC0]  }
0x1b4: {  	v22 =	vld.idx.msk [tilespmem:v23+s17+$0x0], $0xffff;
	[tilespmem:v59+s17+$0x0] =	vst.idx.msk vm4, v54  }
0x1b5: {  	v60 =	vld.idx.msk [tilespmem:v25+s17+$0x0], $0xffff;
	_ =	sdelay $0x3  }
0x1b6: {  	v61 =	vld [tilespmem:$0x1FC70]  }
0x1b7: {  	vm5 =	vgt.f32 v55, v60;
	_ =	sdelay $0x4  }
0x1b8: {  	v56 =	vld [tilespmem:$0x1FEE0]  }
0x1b9: {  	v23 =	vld.idx.msk [tilespmem:v59+s17+$0x0], $0xffff;
	[tilespmem:v25+s17+$0x0] =	vst.idx.msk vm5, v55  }
0x1ba: {  	v24 =	vld.idx.msk [tilespmem:v61+s18+$0x0], $0xffff;
	_ =	sdelay $0x3  }
0x1bb: {  	v27 =	vld [tilespmem:$0x1FC80]  }
0x1bc: {  	vm6 =	vgt.f32 v56, v24;
	_ =	sdelay $0x4  }
0x1bd: {  	v57 =	vld [tilespmem:$0x1FF00]  }
0x1be: {  	v24 =	vld.idx.msk [tilespmem:v25+s17+$0x0], $0xffff;
	[tilespmem:v61+s18+$0x0] =	vst.idx.msk vm6, v56  }
0x1bf: {  	v62 =	vld.idx.msk [tilespmem:v27+s18+$0x0], $0xffff;
	_ =	sdelay $0x3  }
0x1c0: {  	v63 =	vld [tilespmem:$0x1FCE0]  }
0x1c1: {  	vm7 =	vgt.f32 v57, v62;
	_ =	sdelay $0x4  }
0x1c2: {  	v58 =	vld [tilespmem:$0x1FF10]  }
0x1c3: {  	v25 =	vld.idx.msk [tilespmem:v61+s18+$0x0], $0xffff;
	[tilespmem:v27+s18+$0x0] =	vst.idx.msk vm7, v57  }
0x1c4: {  	v26 =	vld.idx.msk [tilespmem:v63+s18+$0x0], $0xffff;
	_ =	sdelay $0x3  }
0x1c5: {  	v29 =	vld [tilespmem:$0x1FD50]  }
0x1c6: {  	vm8 =	vgt.f32 v58, v26;
	_ =	sdelay $0x4  }
0x1c7: {  	v52 =	vld [tilespmem:$0x1FF20]  }
0x1c8: {  	v26 =	vld.idx.msk [tilespmem:v27+s18+$0x0], $0xffff;
	[tilespmem:v63+s18+$0x0] =	vst.idx.msk vm8, v58  }
0x1c9: {  	v31 =	vld.idx.msk [tilespmem:v29+s18+$0x0], $0xffff;
	_ =	sdelay $0x3  }
0x1ca: {  	v30 =	vld [tilespmem:$0x1FDC0]  }
0x1cb: {  	vm9 =	vgt.f32 v52, v31;
	_ =	sdelay $0x4  }
0x1cc: {  	v59 =	vld [tilespmem:$0x1FF30]  }
0x1cd: {  	v27 =	vld.idx.msk [tilespmem:v63+s18+$0x0], $0xffff;
	[tilespmem:v29+s18+$0x0] =	vst.idx.msk vm9, v52  }
0x1ce: {  	v32 =	vld.idx.msk [tilespmem:v30+s17+$0x0], $0xffff;
	_ =	sdelay $0x3  }
0x1cf: {  	v31 =	vld [tilespmem:$0x1FE10]  }
0x1d0: {  	vm10 =	vgt.f32 v59, v32;
	_ =	sdelay $0x4  }
0x1d1: {  	v61 =	vld [tilespmem:$0x1FF40]  }
0x1d2: {  	v20 =	vld.idx.msk [tilespmem:v29+s18+$0x0], $0xffff;
	[tilespmem:v30+s17+$0x0] =	vst.idx.msk vm10, v59  }
0x1d3: {  	v33 =	vld.idx.msk [tilespmem:v31+s17+$0x0], $0xffff;
	_ =	sdelay $0x3  }
0x1d4: {  	v32 =	vld [tilespmem:$0x1FE50]  }
0x1d5: {  	vm11 =	vgt.f32 v61, v33;
	_ =	sdelay $0x4  }
0x1d6: {  	v62 =	vld [tilespmem:$0x1FF50]  }
0x1d7: {  	v29 =	vld.idx.msk [tilespmem:v30+s17+$0x0], $0xffff;
	[tilespmem:v31+s17+$0x0] =	vst.idx.msk vm11, v61  }
0x1d8: {  	v34 =	vld.idx.msk [tilespmem:v32+s17+$0x0], $0xffff;
	_ =	sdelay $0x3  }
0x1d9: {  	v33 =	vld [tilespmem:$0x1FE80]  }
0x1da: {  	vm12 =	vgt.f32 v62, v34;
	_ =	sdelay $0x4  }
0x1db: {  	v63 =	vld [tilespmem:$0x1FF60]  }
0x1dc: {  	v30 =	vld.idx.msk [tilespmem:v31+s17+$0x0], $0xffff;
	[tilespmem:v32+s17+$0x0] =	vst.idx.msk vm12, v62  }
0x1dd: {  	v35 =	vld.idx.msk [tilespmem:v33+s17+$0x0], $0xffff;
	_ =	sdelay $0x3  }
0x1de: {  	v3 =	vld [tilespmem:$0x1FEA0]  }
0x1df: {  	vm13 =	vgt.f32 v63, v35;
	_ =	sdelay $0x4  }
0x1e0: {  	v1 =	vld [tilespmem:$0x1FF70]  }
0x1e1: {  	v31 =	vld.idx.msk [tilespmem:v32+s17+$0x0], $0xffff;
	[tilespmem:v33+s17+$0x0] =	vst.idx.msk vm13, v63  }
0x1e2: {  	v60 =	vld.idx.msk [tilespmem:v3+s18+$0x0], $0xffff;
	_ =	sdelay $0x3  }
0x1e3: {  	v35 =	vld [tilespmem:$0x1FED0]  }
0x1e4: {  	vm14 =	vgt.f32 v1, v60;
	_ =	sdelay $0x4  }
0x1e5: {  	v0 =	vld [tilespmem:$0x1FF80]  }
0x1e6: {  	v32 =	vld.idx.msk [tilespmem:v33+s17+$0x0], $0xffff;
	[tilespmem:v3+s18+$0x0] =	vst.idx.msk vm14, v1  }
0x1e7: {  	v60 =	vld.idx.msk [tilespmem:v35+s18+$0x0], $0xffff;
	_ =	sdelay $0x4  }
0x1e8: {  	vm15 =	vgt.f32 v0, v60;
	v60 =	vld [tilespmem:$0x1FEF0];
	_ =	sdelay $0x5  }
0x1e9: {  	v33 =	vld.idx.msk [tilespmem:v3+s18+$0x0], $0xffff  }
0x1ea: {  	v3 =	vld [tilespmem:$0x1FF90];
	[tilespmem:v35+s18+$0x0] =	vst.idx.msk vm15, v0  }
0x1eb: {  	v34 =	vld.idx.msk [tilespmem:v60+s18+$0x0], $0xffff;
	_ =	sdelay $0x4  }
0x1ec: {  	vm4 =	vgt.f32 v3, v34;
	_ =	sdelay $0x4  }
0x1ed: {  	vm7 =	vgt.f32 v43, v4;
	v43 =	vld [tilespmem:$0x1FFA0]  }
0x1ee: {  	v34 =	vld.idx.msk [tilespmem:v35+s18+$0x0], $0xffff;
	[tilespmem:v60+s18+$0x0] =	vst.idx.msk vm4, v3  }
0x1ef: {  	v35 =	vld.idx.msk [tilespmem:v2+s18+$0x0], $0xffff;
	_ =	sdelay $0x3  }
0x1f0: {  	vm0 =	vgt.f32 v28, v5;
	vm1 =	vgt.f32 v37, v6  }
0x1f1: {  	vm2 =	vgt.f32 v38, v7;
	vm3 =	vgt.f32 v39, v8;
	vm9 =	vgt.f32 v43, v35  }
0x1f2: {  	vm0 =	vmor vm0, vm1;
	vm1 =	vmor vm2, vm3  }
0x1f3: {  	vm5 =	vgt.f32 v41, v10;
	vm14 =	vgt.f32 v49, v18;
	v49 =	vimm.s32 $0x0  }
0x1f4: {  	v4 =	vsel vm0, $0xFFFFFFFF, v49;
	vm15 =	vgt.f32 v50, v19;
	v50 =	vimm.s32 $0x0  }
0x1f5: {  	vm6 =	vgt.f32 v42, v11;
	[tilespmem:$0x1FB00] =	vst v4;
	v4 =	vsel vm1, $0xFFFFFFFF, v50;
	vm4 =	vgt.f32 v40, v9  }
0x1f6: {  	vm0 =	vgt.f32 v51, v12;
	v51 =	vimm.s32 $0x0;
	[tilespmem:$0x1FB10] =	vst v4;
	vm5 =	vmor vm4, vm5  }
0x1f7: {  	v4 =	vsel vm5, $0xFFFFFFFF, v51;
	vm5 =	vmor vm6, vm7;
	vm6 =	vgt.f32 v54, v23;
	v54 =	vld.idx.msk [tilespmem:v60+s18+$0x0], $0xffff;
	[tilespmem:v2+s18+$0x0] =	vst.idx.msk vm9, v43  }
0x1f8: {  	v60 =	vld.idx.msk [tilespmem:v2+s18+$0x0], $0xffff  }
0x1f9: {  	vm2 =	vmor vm15, vm0;
	vm15 =	vgt.f32 v0, v34;
	v0 =	vld [tilespmem:$0x1FB00]  }
0x1fa: {  	vm3 =	vgt.f32 v44, v21;
	vm8 =	vgt.f32 v36, v13  }
0x1fb: {  	vm10 =	vgt.f32 v45, v14;
	vm11 =	vgt.f32 v46, v15;
	vm4 =	vgt.f32 v53, v22  }
0x1fc: {  	vm0 =	vgt.f32 v59, v29;
	vm1 =	vgt.f32 v61, v30;
	vm3 =	vmor vm3, vm4  }
0x1fd: {  	vm4 =	vmor vm0, vm1;
	vm1 =	vgt.f32 v3, v54;
	vm0 =	vgt.f32 v43, v60  }
0x1fe: {  	vm12 =	vgt.f32 v47, v16;
	vm0 =	vmor vm1, vm0;
	vm1 =	vnez.u8 v0;
	v0 =	vld [tilespmem:$0x1FB10]  }
0x1ff: {  	vm8 =	vmor vm8, vm10;
	vm10 =	vmor vm11, vm12;
	vm13 =	vgt.f32 v48, v17  }
0x200: {  	vm12 =	vmor vm13, vm14;
	vm13 =	vgt.f32 v58, v27;
	vm14 =	vgt.f32 v52, v20  }
0x201: {  	vm11 =	vgt.f32 v57, v26;
	vm13 =	vmor vm13, vm14;
	vm9 =	vgt.f32 v56, v25  }
0x202: {  	vm14 =	vgt.f32 v63, v32;
	[tilespmem:$0x1FB20] =	vst v4;
	vm9 =	vmor vm9, vm11;
	vm11 =	vgt.f32 v62, v31  }
0x203: {  	vm11 =	vmor vm11, vm14;
	vm14 =	vnez.u8 v0;
	v0 =	vld [tilespmem:$0x1FB20];
	_ =	sdelay $0x1  }
0x204: {  	vm8 =	vmor vm8, vm10;
	vm7 =	vgt.f32 v55, v24  }
0x205: {  	vm2 =	vmor vm12, vm2;
	vm6 =	vmor vm6, vm7;
	vm7 =	vgt.f32 v1, v33  }
0x206: {  	vm2 =	vmor vm8, vm2;
	vm7 =	vmor vm7, vm15;
	vm3 =	vmor vm3, vm6  }
0x207: {  	vm15 =	vmor vm9, vm13;
	vm1 =	vmor vm1, vm14;
	vm14 =	vnez.u8 v0  }
0x208: {  	vm4 =	vmor vm4, vm11;
	vm0 =	vmor vm7, vm0;
	vm5 =	vmor vm14, vm5  }
0x209: {  	vm3 =	vmor vm3, vm15;
	vm0 =	vmor vm4, vm0;
	vm1 =	vmor vm1, vm5  }
0x20a: {  	vm0 =	vmor vm3, vm0;
	vm1 =	vmor vm1, vm2  }
0x20b: {  	vm0 =	vmor vm1, vm0  }
0x20c: {  	v63 =	vmpcnt.ones.xlane vm0;
	_ =	sdelay $0x1  }
0x20d: {  	(v2sf) =	vpush v63, $0x0;
	_ =	sdelay $0xe  }
0x20e: {  	s26 =	spop (v2sf)  }
0x20f: {  	p0 =	sgt.s32 s26, $0x0  }
.Ltmp6:
0x210: {  	_ = 	snop;
	(pc) =	sbr.rel @p0 .LBB2_6-.Ltmp6, $1  }
0x211: {  	_ =	sdelay $0x3  }
.Ltmp7:
0x212: {  	_ = 	snop;
	(pc) =	sbr.rel .LBB2_7-.Ltmp7, $1  }
0x213: {  	_ =	sdelay $0x3  }
.LBB2_9:
0x214: {  	s20 =	simm.s32 $0x0  }
0x215: {  	s21 =	simm.s32 $0x40;
	v0 =	vld [tilespmem:s20+$0x14100]  }
.LBB2_10:
0x216: {  	p0 =	sne.s32 s21, $0x28000;
	v1 =	vld [tilespmem:s20+$0xA080];
	_ =	sdelay $0x1  }
.Ltmp8:
0x217: {  	(pc) =	sbr.rel @p0 .LBB2_10-.Ltmp8, $3  }
0x218: {  	_ =	sdelay $0x1  }
0x219: {  	s22 =	sshra.s32 s21, $0x2;
	v1 =	vmax.f32 v1, v0  }
0x21a: {  	s21 =	sadd.s32 $0x40, s21;
	v0 =	vld [tilespmem:s22+$0x14100];
	[tilespmem:s20+$0xA080] =	vst v1;
	s20 =	smov.u32 s22  }
0x21b: {  	v1 =	vld [tilespmem:s20+$0xA080];
	_ =	sdelay $0x3  }
0x21c: {  	s19 =	sadd.s32 $0x1, s19  }
0x21d: {  	p0 =	sne.s32 s19, s9;
	v0 =	vmax.f32 v1, v0  }
.Ltmp9:
0x21e: {  	[tilespmem:s20+$0xA080] =	vst v0;
	(pc) =	sbr.rel @p0 .LBB2_1-.Ltmp9, $4  }
0x21f: {  	[hbm4b:s8+s10] =	stream.strided.scatter [tilespmem:s17], [sflag:$0x5], $0xA080, s11, s10, $0x38;
	[tilespmem:$0x1F680] =	vst v63  }
0x220: {  	_ =	swait.ge [sflag:s12], $0xA080  }
0x221: {  	[sflag:s12] =	ssyncset.done $0x0  }
0x222: {  	v0 =	vimm.f32 $-Inf;
	[sflag:s12] =	ssyncadd.s32 $0xFFFF5F80  }
0x223: {  	_ =	sfence.sel $0x180000  }
0x224: {  	[bflag:$0x0] =	sbarrier.arrive $0xFFFF  }
0x225: {  	p0 =	sne.s32 s0, $0x0;
	_ =	strace $0x90000047  }
0x226: {  	s0 =	sadd.s32 @!p0 $0x100000, s3;
	[bflag:$0x2] =	sbarrier.arrive $0xFFFF  }
0x227: {  	[sflag:s0] =	ssyncadd.tile.s32 @!p0 $0x1;
	_ =	shalt  }
.Lfunc_end2:
_tile_overlayer_lowered:
.L_overlay_start_2:
0x228: {  	(tag) =	ssettag $0x2  }
0x229: {  	s0 =	rddreg [dreg:$0x0];
	s2 =	stileid.u32  }
0x22a: {  	s1 =	rddreg [dreg:$0x1];
	p0 =	sne.s32 s2, $0x0  }
0x22b: {  	s3 =	rddreg [dreg:$0x2];
	[bflag:$0x3] =	sbarrier.arrive $0xFFFF;
	s2 =	simm.s32 @!p0 $0x1C05  }
0x22c: {  	[timem:s3], [sflag:s2] =	dma.local @!p0 [hbm:s0], s1  }
0x22d: {  	s0 =	simm.s32 @!p0 $0x5  }
0x22e: {  	_ =	swait.ge @!p0 [sflag:s0], s1  }
0x22f: {  	s1 =	ssub.s32 @!p0 $0x0, s1;
	[sflag:s0] =	ssyncset.done @!p0 $0x0  }
0x230: {  	[sflag:s0] =	ssyncadd.s32 @!p0 s1  }
0x231: {  	[bflag:$0x3] =	sbarrier.arrive $0xFFFF  }
0x232: {  	_ =	shalt  }

</sc_bundles>
